<compile_context>
chip_gen: v7x
topology: tpu7x:2x2x1
jax: 0.10.2.dev20260603
libtpu: 0.0.44.dev20260713+nightly
codegen_flags: <defaults>
</compile_context>

<pallas_src>
import functools

import jax
import jax.numpy as jnp
from jax import lax
from jax.experimental import pallas as pl
from jax.experimental.pallas import tpu as pltpu
from jax.experimental.pallas import tpu_sc as plsc

N_E = 1024
E_DIM = 64
BETA = 0.25
LAMBDA_REG = 0.1
UNIFORM_WEIGHT = 0.1

N_ROWS = 18432
HALF = N_ROWS // 2
TILE = 2304

_NC = 2
_NS = 16
_NW = _NC * _NS
_BPW = HALF // _NW
_CHUNK = 96
_NCHUNK = _BPW // _CHUNK


def _argmin_qq_body(z_ref, emb_ref, idx_ref, qq_ref):
    i = pl.program_id(0)
    z = z_ref[...]
    e = emb_ref[...]

    zz = jnp.sum(z * z, axis=1, keepdims=True)
    ee = jnp.sum(e * e, axis=1)
    two_ze = 2.0 * jax.lax.dot_general(
        z, e, (((1,), (1,)), ((), ())), preferred_element_type=jnp.float32)
    d = (zz + ee[None, :]) - two_ze

    iota = jax.lax.broadcasted_iota(jnp.int32, (TILE, N_E), 1)
    dmin = jnp.min(d, axis=1, keepdims=True)
    idx = jnp.min(jnp.where(d == dmin, iota, N_E), axis=1)
    idx_ref[...] = idx[:, None]

    @pl.when(i == 0)
    def _qq():
        sq = (ee[:, None] + ee[None, :]) - 2.0 * jax.lax.dot_general(
            e, e, (((1,), (1,)), ((), ())), preferred_element_type=jnp.float32)
        sq = jnp.maximum(sq, 0.0)
        dist = jnp.where(sq > 0.0, jnp.sqrt(jnp.where(sq > 0.0, sq, 1.0)), 0.0)
        min_d = jnp.min(dist, axis=1)
        max_d = jnp.max(dist, axis=1)
        uniform_loss = jnp.mean(max_d - min_d)
        qq_ref[0, 0] = UNIFORM_WEIGHT * uniform_loss + LAMBDA_REG * jnp.sum(e * e)


def _argmin_body(z_ref, emb_ref, idx_ref):
    z = z_ref[...]
    e = emb_ref[...]
    zz = jnp.sum(z * z, axis=1, keepdims=True)
    ee = jnp.sum(e * e, axis=1)
    two_ze = 2.0 * jax.lax.dot_general(
        z, e, (((1,), (1,)), ((), ())), preferred_element_type=jnp.float32)
    d = (zz + ee[None, :]) - two_ze
    iota = jax.lax.broadcasted_iota(jnp.int32, (TILE, N_E), 1)
    dmin = jnp.min(d, axis=1, keepdims=True)
    idx = jnp.min(jnp.where(d == dmin, iota, N_E), axis=1)
    idx_ref[...] = idx[:, None]


def _vq_argmin(z_half, emb, with_qq):
    grid = HALF // TILE
    in_specs = [
        pl.BlockSpec((TILE, E_DIM), lambda i: (i, 0)),
        pl.BlockSpec((N_E, E_DIM), lambda i: (0, 0)),
    ]
    if with_qq:
        return pl.pallas_call(
            _argmin_qq_body,
            grid=(grid,),
            in_specs=in_specs,
            out_specs=[
                pl.BlockSpec((TILE, 1), lambda i: (i, 0)),
                pl.BlockSpec(memory_space=pltpu.SMEM),
            ],
            out_shape=[
                jax.ShapeDtypeStruct((HALF, 1), jnp.int32),
                jax.ShapeDtypeStruct((1, 1), jnp.float32),
            ],
            compiler_params=pltpu.CompilerParams(
                dimension_semantics=("arbitrary",)),
        )(z_half, emb)
    return pl.pallas_call(
        _argmin_body,
        grid=(grid,),
        in_specs=in_specs,
        out_specs=pl.BlockSpec((TILE, 1), lambda i: (i, 0)),
        out_shape=jax.ShapeDtypeStruct((HALF, 1), jnp.int32),
        compiler_params=pltpu.CompilerParams(
            dimension_semantics=("arbitrary",)),
    )(z_half, emb)


def _sc_gather(emb128, idx_flat):
    mesh = plsc.VectorSubcoreMesh(
        core_axis_name="c", subcore_axis_name="s",
        num_cores=_NC, num_subcores=_NS)

    @functools.partial(
        pl.kernel,
        mesh=mesh,
        out_type=jax.ShapeDtypeStruct((HALF, 128), jnp.float32),
        scratch_types=[
            pltpu.VMEM((_BPW,), jnp.int32),
            pltpu.VMEM((_BPW, 128), jnp.float32),
            pltpu.SemaphoreType.DMA,
        ],
    )
    def gather_k(table_hbm, idx_hbm, out_hbm, idx_v, rows_v, sem):
        wid = lax.axis_index("s") * _NC + lax.axis_index("c")
        base = wid * _BPW
        pltpu.sync_copy(idx_hbm.at[pl.ds(base, _BPW)], idx_v)
        copies = [
            pltpu.async_copy(
                table_hbm.at[idx_v.at[pl.ds(c * _CHUNK, _CHUNK)]],
                rows_v.at[pl.ds(c * _CHUNK, _CHUNK)],
                sem,
            )
            for c in range(_NCHUNK)
        ]
        for cp in copies:
            cp.wait()
        pltpu.sync_copy(rows_v, out_hbm.at[pl.ds(base, _BPW)])

    return gather_k(emb128, idx_flat)


def _finish_body(z_ref, zq_ref, out_ref, loss_ref):
    i = pl.program_id(0)
    z = z_ref[...]
    z_q = zq_ref[:, :E_DIM]
    out_ref[...] = z + (z_q - z)
    diff = z_q - z
    partial = jnp.sum(diff * diff)

    @pl.when(i == 0)
    def _init():
        loss_ref[0, 0] = partial

    @pl.when(i != 0)
    def _acc():
        loss_ref[0, 0] += partial


def _finish(z_half, z_q):
    grid = HALF // TILE
    zq_st, loss_sum = pl.pallas_call(
        _finish_body,
        grid=(grid,),
        in_specs=[
            pl.BlockSpec((TILE, E_DIM), lambda i: (i, 0)),
            pl.BlockSpec((TILE, 128), lambda i: (i, 0)),
        ],
        out_specs=[
            pl.BlockSpec((TILE, E_DIM), lambda i: (i, 0)),
            pl.BlockSpec(memory_space=pltpu.SMEM),
        ],
        out_shape=[
            jax.ShapeDtypeStruct((HALF, E_DIM), jnp.float32),
            jax.ShapeDtypeStruct((1, 1), jnp.float32),
        ],
        compiler_params=pltpu.CompilerParams(
            dimension_semantics=("arbitrary",)),
    )(z_half, z_q)
    return zq_st, loss_sum


def kernel(input, embedding_weight):
    z = input
    z_flat = z.reshape(-1, E_DIM)
    z1, z2 = z_flat[:HALF], z_flat[HALF:]
    emb128 = jnp.concatenate(
        [embedding_weight,
         jnp.zeros((N_E, 128 - E_DIM), jnp.float32)], axis=1)
    idx1, qq = _vq_argmin(z1, embedding_weight, True)
    zq1 = _sc_gather(emb128, idx1.reshape(-1))
    idx2 = _vq_argmin(z2, embedding_weight, False)
    zq2 = _sc_gather(emb128, idx2.reshape(-1))
    zq_st1, loss1 = _finish(z1, zq1)
    zq_st2, loss2 = _finish(z2, zq2)
    idx = jnp.concatenate([idx1, idx2], axis=0)
    zq_st = jnp.concatenate([zq_st1, zq_st2], axis=0)
    m = (loss1[0, 0] + loss2[0, 0]) / (N_ROWS * E_DIM)
    loss = m + BETA * m
    return (zq_st.reshape(z.shape), idx, loss, qq[0, 0])

# --- scband reference (transcript-rebuilt; emitter-appended) ---
"""Pipeline reference for scband-vector-quantizer-conv-47072841564924 (READ-ONLY COPY).

The authoritative reference and input builder live on the scoring server;
editing this copy changes nothing except your own understanding.
"""

import jax, jax.numpy as jnp
import numpy as np

N_E = 1024
E_DIM = 64
BETA = 0.25
LAMBDA_REG = 0.1
UNIFORM_WEIGHT = 0.1


def setup_inputs(seed: int = 0) -> dict:
    key = jax.random.key(seed)
    k1, k2 = jax.random.split(key)
    z = jax.random.normal(k1, (32, 576, E_DIM), dtype=jnp.float32)
    emb = jax.random.uniform(k2, (N_E, E_DIM), minval=-1.0 / N_E, maxval=1.0 / N_E, dtype=jnp.float32)
    return {"input": z, "embedding_weight": emb}


def _safe_cdist(a, b):
    # Euclidean cdist with grad-safe sqrt at zero distance (matches torch.cdist p=2 fwd).
    a2 = jnp.sum(a ** 2, axis=1)
    b2 = jnp.sum(b ** 2, axis=1)
    sq = a2[:, None] + b2[None, :] - 2.0 * (a @ b.T)
    sq = jnp.maximum(sq, 0.0)
    safe = jnp.where(sq > 0.0, sq, 1.0)
    return jnp.where(sq > 0.0, jnp.sqrt(safe), 0.0)


def reference(input, embedding_weight):
    z = input
    z_flat = z.reshape(-1, E_DIM)
    d = (jnp.sum(z_flat ** 2, axis=1, keepdims=True)
         + jnp.sum(embedding_weight ** 2, axis=1)
         - 2.0 * (z_flat @ embedding_weight.T))
    min_encoding_indices = jnp.argmin(d, axis=1)[:, None]
    n = min_encoding_indices.shape[0]
    min_encodings = jnp.zeros((n, N_E), dtype=z.dtype).at[
        jnp.arange(n), min_encoding_indices[:, 0]].set(1.0)
    z_q = (min_encodings @ embedding_weight).reshape(z.shape)
    loss = (jnp.mean((jax.lax.stop_gradient(z_q) - z) ** 2)
            + BETA * jnp.mean((z_q - jax.lax.stop_gradient(z)) ** 2))
    z_q_st = z + jax.lax.stop_gradient(z_q - z)
    embedding_distances = _safe_cdist(embedding_weight, embedding_weight)
    min_distance = jnp.min(embedding_distances, axis=1, keepdims=True)
    max_distance = jnp.max(embedding_distances, axis=1, keepdims=True)
    uniform_loss = jnp.mean(max_distance - min_distance)
    qq_loss = UNIFORM_WEIGHT * uniform_loss + LAMBDA_REG * jnp.sum(embedding_weight ** 2)
    return (z_q_st, min_encoding_indices, loss, qq_loss)

if __name__ == "__main__":
    import jax
    _d = setup_inputs()
    print(jax.jit(kernel)(*tuple(_d.values())))

</pallas_src>

<mosaic_0001>
#map = affine_map<(d0, d1) -> (0, 0)>
#map1 = affine_map<(d0, d1) -> (0)>
module attributes {stable_mosaic.version = 14 : i64} {
  func.func @gather_k(%arg0: i32, %arg1: i32, %arg2: memref<1024x128xf32, #tpu.memory_space<hbm>>, %arg3: memref<9216xi32, #tpu.memory_space<hbm>>, %arg4: memref<9216x128xf32, #tpu.memory_space<hbm>>, %arg5: memref<288xi32, #tpu.memory_space<vmem>>, %arg6: memref<288x128xf32, #tpu.memory_space<vmem>>, %arg7: memref<!tpu.dma_semaphore, #tpu.memory_space<semaphore_mem>>) attributes {dimension_semantics = [#tpu.dimension_semantics<core_parallel>, #tpu.dimension_semantics<subcore_parallel>], iteration_bounds = array<i64: 2, 16>, scalar_prefetch = 0 : i64, scratch_operands = 3 : i64, tpu.core_type = #tpu.core_type<sc_vector_subcore>, window_params = [{transform_indices = #map}, {transform_indices = #map1}, {transform_indices = #map}]} {
    %mul3A = arith.constant 2 : i32
    %mul3A_0 = arith.muli %arg1, %mul3A : i32
    %add3A = arith.addi %mul3A_0, %arg0 : i32
    %mul3A_1 = arith.constant 288 : i32
    %mul3A_2 = arith.muli %add3A, %mul3A_1 : i32
    "tpu.region"() ({
      %run_scoped3A = tpu.sem_alloc : memref<!tpu.dma_semaphore, #tpu.memory_space<semaphore_mem>>
      %dma_start3A_49 = tpu.memref_slice %arg3[%mul3A_2] : memref<9216xi32, #tpu.memory_space<hbm>> -> memref<288xi32, #tpu.memory_space<hbm>>
      %dma_start3A_50 = tpu.memref_slice %arg3[%mul3A_2] : memref<9216xi32, #tpu.memory_space<hbm>> -> memref<288xi32, #tpu.memory_space<hbm>>
      tpu.enqueue_dma source(%dma_start3A_50 : memref<288xi32, #tpu.memory_space<hbm>>) target(%arg5 : memref<288xi32, #tpu.memory_space<vmem>>) target_semaphore(%run_scoped3A : memref<!tpu.dma_semaphore, #tpu.memory_space<semaphore_mem>>)
      %dma_wait3A_51 = tpu.memref_slice %arg3[%mul3A_2] : memref<9216xi32, #tpu.memory_space<hbm>> -> memref<288xi32, #tpu.memory_space<hbm>>
      %dma_wait3A_52 = tpu.memref_slice %arg3[%mul3A_2] : memref<9216xi32, #tpu.memory_space<hbm>> -> memref<288xi32, #tpu.memory_space<hbm>>
      tpu.wait_dma2 semaphore(%run_scoped3A : memref<!tpu.dma_semaphore, #tpu.memory_space<semaphore_mem>>) src(%dma_wait3A_52 : memref<288xi32, #tpu.memory_space<hbm>>) dst(%arg5 : memref<288xi32, #tpu.memory_space<vmem>>)
      tpu.yield
    }) : () -> ()
    %dma_start3A = arith.constant 0 : i32
    %dma_start3A_3 = arith.constant 0 : i32
    %dma_start3A_4 = tpu.memref_slice %arg6[%dma_start3A, %dma_start3A_3] : memref<288x128xf32, #tpu.memory_space<vmem>> -> memref<96x128xf32, #tpu.memory_space<vmem>>
    %dma_start3A_5 = arith.constant 0 : i32
    %dma_start3A_6 = tpu.memref_slice %arg5[%dma_start3A_5] : memref<288xi32, #tpu.memory_space<vmem>> -> memref<96xi32, #tpu.memory_space<vmem>>
    %dma_start3A_7 = arith.constant 0 : i32
    %dma_start3A_8 = arith.constant 0 : i32
    %dma_start3A_9 = tpu.memref_slice %arg2[%dma_start3A_7, %dma_start3A_8] : memref<1024x128xf32, #tpu.memory_space<hbm>> -> memref<1024x128xf32, #tpu.memory_space<hbm>>
    tpu.enqueue_indirect_dma source(%dma_start3A_9 : memref<1024x128xf32, #tpu.memory_space<hbm>>) target(%dma_start3A_4 : memref<96x128xf32, #tpu.memory_space<vmem>>) offsets(%dma_start3A_6 : memref<96xi32, #tpu.memory_space<vmem>>) semaphore(%arg7 : memref<!tpu.dma_semaphore, #tpu.memory_space<semaphore_mem>>)
    %dma_start3A_10 = arith.constant 96 : i32
    %dma_start3A_11 = arith.constant 0 : i32
    %dma_start3A_12 = tpu.memref_slice %arg6[%dma_start3A_10, %dma_start3A_11] : memref<288x128xf32, #tpu.memory_space<vmem>> -> memref<96x128xf32, #tpu.memory_space<vmem>>
    %dma_start3A_13 = arith.constant 96 : i32
    %dma_start3A_14 = tpu.memref_slice %arg5[%dma_start3A_13] : memref<288xi32, #tpu.memory_space<vmem>> -> memref<96xi32, #tpu.memory_space<vmem>>
    %dma_start3A_15 = arith.constant 0 : i32
    %dma_start3A_16 = arith.constant 0 : i32
    %dma_start3A_17 = tpu.memref_slice %arg2[%dma_start3A_15, %dma_start3A_16] : memref<1024x128xf32, #tpu.memory_space<hbm>> -> memref<1024x128xf32, #tpu.memory_space<hbm>>
    tpu.enqueue_indirect_dma source(%dma_start3A_17 : memref<1024x128xf32, #tpu.memory_space<hbm>>) target(%dma_start3A_12 : memref<96x128xf32, #tpu.memory_space<vmem>>) offsets(%dma_start3A_14 : memref<96xi32, #tpu.memory_space<vmem>>) semaphore(%arg7 : memref<!tpu.dma_semaphore, #tpu.memory_space<semaphore_mem>>)
    %dma_start3A_18 = arith.constant 192 : i32
    %dma_start3A_19 = arith.constant 0 : i32
    %dma_start3A_20 = tpu.memref_slice %arg6[%dma_start3A_18, %dma_start3A_19] : memref<288x128xf32, #tpu.memory_space<vmem>> -> memref<96x128xf32, #tpu.memory_space<vmem>>
    %dma_start3A_21 = arith.constant 192 : i32
    %dma_start3A_22 = tpu.memref_slice %arg5[%dma_start3A_21] : memref<288xi32, #tpu.memory_space<vmem>> -> memref<96xi32, #tpu.memory_space<vmem>>
    %dma_start3A_23 = arith.constant 0 : i32
    %dma_start3A_24 = arith.constant 0 : i32
    %dma_start3A_25 = tpu.memref_slice %arg2[%dma_start3A_23, %dma_start3A_24] : memref<1024x128xf32, #tpu.memory_space<hbm>> -> memref<1024x128xf32, #tpu.memory_space<hbm>>
    tpu.enqueue_indirect_dma source(%dma_start3A_25 : memref<1024x128xf32, #tpu.memory_space<hbm>>) target(%dma_start3A_20 : memref<96x128xf32, #tpu.memory_space<vmem>>) offsets(%dma_start3A_22 : memref<96xi32, #tpu.memory_space<vmem>>) semaphore(%arg7 : memref<!tpu.dma_semaphore, #tpu.memory_space<semaphore_mem>>)
    %dma_wait3A = arith.constant 0 : i32
    %dma_wait3A_26 = arith.constant 0 : i32
    %dma_wait3A_27 = tpu.memref_slice %arg6[%dma_wait3A, %dma_wait3A_26] : memref<288x128xf32, #tpu.memory_space<vmem>> -> memref<96x128xf32, #tpu.memory_space<vmem>>
    %dma_wait3A_28 = arith.constant 0 : i32
    %dma_wait3A_29 = tpu.memref_slice %arg5[%dma_wait3A_28] : memref<288xi32, #tpu.memory_space<vmem>> -> memref<96xi32, #tpu.memory_space<vmem>>
    %dma_wait3A_30 = arith.constant 0 : i32
    %dma_wait3A_31 = arith.constant 0 : i32
    %dma_wait3A_32 = tpu.memref_slice %arg2[%dma_wait3A_30, %dma_wait3A_31] : memref<1024x128xf32, #tpu.memory_space<hbm>> -> memref<1024x128xf32, #tpu.memory_space<hbm>>
    tpu.wait_indirect_dma semaphore(%arg7 : memref<!tpu.dma_semaphore, #tpu.memory_space<semaphore_mem>>) src(%dma_wait3A_32 : memref<1024x128xf32, #tpu.memory_space<hbm>>) dst(%dma_wait3A_27 : memref<96x128xf32, #tpu.memory_space<vmem>>)
    %dma_wait3A_33 = arith.constant 96 : i32
    %dma_wait3A_34 = arith.constant 0 : i32
    %dma_wait3A_35 = tpu.memref_slice %arg6[%dma_wait3A_33, %dma_wait3A_34] : memref<288x128xf32, #tpu.memory_space<vmem>> -> memref<96x128xf32, #tpu.memory_space<vmem>>
    %dma_wait3A_36 = arith.constant 96 : i32
    %dma_wait3A_37 = tpu.memref_slice %arg5[%dma_wait3A_36] : memref<288xi32, #tpu.memory_space<vmem>> -> memref<96xi32, #tpu.memory_space<vmem>>
    %dma_wait3A_38 = arith.constant 0 : i32
    %dma_wait3A_39 = arith.constant 0 : i32
    %dma_wait3A_40 = tpu.memref_slice %arg2[%dma_wait3A_38, %dma_wait3A_39] : memref<1024x128xf32, #tpu.memory_space<hbm>> -> memref<1024x128xf32, #tpu.memory_space<hbm>>
    tpu.wait_indirect_dma semaphore(%arg7 : memref<!tpu.dma_semaphore, #tpu.memory_space<semaphore_mem>>) src(%dma_wait3A_40 : memref<1024x128xf32, #tpu.memory_space<hbm>>) dst(%dma_wait3A_35 : memref<96x128xf32, #tpu.memory_space<vmem>>)
    %dma_wait3A_41 = arith.constant 192 : i32
    %dma_wait3A_42 = arith.constant 0 : i32
    %dma_wait3A_43 = tpu.memref_slice %arg6[%dma_wait3A_41, %dma_wait3A_42] : memref<288x128xf32, #tpu.memory_space<vmem>> -> memref<96x128xf32, #tpu.memory_space<vmem>>
    %dma_wait3A_44 = arith.constant 192 : i32
    %dma_wait3A_45 = tpu.memref_slice %arg5[%dma_wait3A_44] : memref<288xi32, #tpu.memory_space<vmem>> -> memref<96xi32, #tpu.memory_space<vmem>>
    %dma_wait3A_46 = arith.constant 0 : i32
    %dma_wait3A_47 = arith.constant 0 : i32
    %dma_wait3A_48 = tpu.memref_slice %arg2[%dma_wait3A_46, %dma_wait3A_47] : memref<1024x128xf32, #tpu.memory_space<hbm>> -> memref<1024x128xf32, #tpu.memory_space<hbm>>
    tpu.wait_indirect_dma semaphore(%arg7 : memref<!tpu.dma_semaphore, #tpu.memory_space<semaphore_mem>>) src(%dma_wait3A_48 : memref<1024x128xf32, #tpu.memory_space<hbm>>) dst(%dma_wait3A_43 : memref<96x128xf32, #tpu.memory_space<vmem>>)
    "tpu.region"() ({
      %run_scoped3A = tpu.sem_alloc : memref<!tpu.dma_semaphore, #tpu.memory_space<semaphore_mem>>
      %dma_start3A_49 = arith.constant 0 : i32
      %dma_start3A_50 = tpu.memref_slice %arg4[%mul3A_2, %dma_start3A_49] : memref<9216x128xf32, #tpu.memory_space<hbm>> -> memref<288x128xf32, #tpu.memory_space<hbm>>
      %dma_start3A_51 = arith.constant 0 : i32
      %dma_start3A_52 = tpu.memref_slice %arg4[%mul3A_2, %dma_start3A_51] : memref<9216x128xf32, #tpu.memory_space<hbm>> -> memref<288x128xf32, #tpu.memory_space<hbm>>
      tpu.enqueue_dma source(%arg6 : memref<288x128xf32, #tpu.memory_space<vmem>>) target(%dma_start3A_52 : memref<288x128xf32, #tpu.memory_space<hbm>>) target_semaphore(%run_scoped3A : memref<!tpu.dma_semaphore, #tpu.memory_space<semaphore_mem>>)
      %dma_wait3A_53 = arith.constant 0 : i32
      %dma_wait3A_54 = tpu.memref_slice %arg4[%mul3A_2, %dma_wait3A_53] : memref<9216x128xf32, #tpu.memory_space<hbm>> -> memref<288x128xf32, #tpu.memory_space<hbm>>
      %dma_wait3A_55 = arith.constant 0 : i32
      %dma_wait3A_56 = tpu.memref_slice %arg4[%mul3A_2, %dma_wait3A_55] : memref<9216x128xf32, #tpu.memory_space<hbm>> -> memref<288x128xf32, #tpu.memory_space<hbm>>
      tpu.wait_dma2 semaphore(%run_scoped3A : memref<!tpu.dma_semaphore, #tpu.memory_space<semaphore_mem>>) src(%arg6 : memref<288x128xf32, #tpu.memory_space<vmem>>) dst(%dma_wait3A_56 : memref<288x128xf32, #tpu.memory_space<hbm>>)
      tpu.yield
    }) : () -> ()
    return
  }
}

#map = affine_map<(d0, d1) -> (0, 0)>
#map1 = affine_map<(d0, d1) -> (0)>
module attributes {stable_mosaic.version = 14 : i64} {
  func.func @gather_k(%arg0: i32, %arg1: i32, %arg2: memref<1024x128xf32, #tpu.memory_space<hbm>>, %arg3: memref<9216xi32, #tpu.memory_space<hbm>>, %arg4: memref<9216x128xf32, #tpu.memory_space<hbm>>, %arg5: memref<288xi32, #tpu.memory_space<vmem>>, %arg6: memref<288x128xf32, #tpu.memory_space<vmem>>, %arg7: memref<!tpu.dma_semaphore, #tpu.memory_space<semaphore_mem>>) attributes {dimension_semantics = [#tpu.dimension_semantics<core_parallel>, #tpu.dimension_semantics<subcore_parallel>], iteration_bounds = array<i64: 2, 16>, scalar_prefetch = 0 : i64, scratch_operands = 3 : i64, tpu.core_type = #tpu.core_type<sc_vector_subcore>, window_params = [{transform_indices = #map}, {transform_indices = #map1}, {transform_indices = #map}]} {
    %mul3A = arith.constant 2 : i32
    %mul3A_0 = arith.muli %arg1, %mul3A : i32
    %add3A = arith.addi %mul3A_0, %arg0 : i32
    %mul3A_1 = arith.constant 288 : i32
    %mul3A_2 = arith.muli %add3A, %mul3A_1 : i32
    "tpu.region"() ({
      %run_scoped3A = tpu.sem_alloc : memref<!tpu.dma_semaphore, #tpu.memory_space<semaphore_mem>>
      %dma_start3A_49 = tpu.memref_slice %arg3[%mul3A_2] : memref<9216xi32, #tpu.memory_space<hbm>> -> memref<288xi32, #tpu.memory_space<hbm>>
      %dma_start3A_50 = tpu.memref_slice %arg3[%mul3A_2] : memref<9216xi32, #tpu.memory_space<hbm>> -> memref<288xi32, #tpu.memory_space<hbm>>
      tpu.enqueue_dma source(%dma_start3A_50 : memref<288xi32, #tpu.memory_space<hbm>>) target(%arg5 : memref<288xi32, #tpu.memory_space<vmem>>) target_semaphore(%run_scoped3A : memref<!tpu.dma_semaphore, #tpu.memory_space<semaphore_mem>>)
      %dma_wait3A_51 = tpu.memref_slice %arg3[%mul3A_2] : memref<9216xi32, #tpu.memory_space<hbm>> -> memref<288xi32, #tpu.memory_space<hbm>>
      %dma_wait3A_52 = tpu.memref_slice %arg3[%mul3A_2] : memref<9216xi32, #tpu.memory_space<hbm>> -> memref<288xi32, #tpu.memory_space<hbm>>
      tpu.wait_dma2 semaphore(%run_scoped3A : memref<!tpu.dma_semaphore, #tpu.memory_space<semaphore_mem>>) src(%dma_wait3A_52 : memref<288xi32, #tpu.memory_space<hbm>>) dst(%arg5 : memref<288xi32, #tpu.memory_space<vmem>>)
      tpu.yield
    }) : () -> ()
    %dma_start3A = arith.constant 0 : i32
    %dma_start3A_3 = arith.constant 0 : i32
    %dma_start3A_4 = tpu.memref_slice %arg6[%dma_start3A, %dma_start3A_3] : memref<288x128xf32, #tpu.memory_space<vmem>> -> memref<96x128xf32, #tpu.memory_space<vmem>>
    %dma_start3A_5 = arith.constant 0 : i32
    %dma_start3A_6 = tpu.memref_slice %arg5[%dma_start3A_5] : memref<288xi32, #tpu.memory_space<vmem>> -> memref<96xi32, #tpu.memory_space<vmem>>
    %dma_start3A_7 = arith.constant 0 : i32
    %dma_start3A_8 = arith.constant 0 : i32
    %dma_start3A_9 = tpu.memref_slice %arg2[%dma_start3A_7, %dma_start3A_8] : memref<1024x128xf32, #tpu.memory_space<hbm>> -> memref<1024x128xf32, #tpu.memory_space<hbm>>
    tpu.enqueue_indirect_dma source(%dma_start3A_9 : memref<1024x128xf32, #tpu.memory_space<hbm>>) target(%dma_start3A_4 : memref<96x128xf32, #tpu.memory_space<vmem>>) offsets(%dma_start3A_6 : memref<96xi32, #tpu.memory_space<vmem>>) semaphore(%arg7 : memref<!tpu.dma_semaphore, #tpu.memory_space<semaphore_mem>>)
    %dma_start3A_10 = arith.constant 96 : i32
    %dma_start3A_11 = arith.constant 0 : i32
    %dma_start3A_12 = tpu.memref_slice %arg6[%dma_start3A_10, %dma_start3A_11] : memref<288x128xf32, #tpu.memory_space<vmem>> -> memref<96x128xf32, #tpu.memory_space<vmem>>
    %dma_start3A_13 = arith.constant 96 : i32
    %dma_start3A_14 = tpu.memref_slice %arg5[%dma_start3A_13] : memref<288xi32, #tpu.memory_space<vmem>> -> memref<96xi32, #tpu.memory_space<vmem>>
    %dma_start3A_15 = arith.constant 0 : i32
    %dma_start3A_16 = arith.constant 0 : i32
    %dma_start3A_17 = tpu.memref_slice %arg2[%dma_start3A_15, %dma_start3A_16] : memref<1024x128xf32, #tpu.memory_space<hbm>> -> memref<1024x128xf32, #tpu.memory_space<hbm>>
    tpu.enqueue_indirect_dma source(%dma_start3A_17 : memref<1024x128xf32, #tpu.memory_space<hbm>>) target(%dma_start3A_12 : memref<96x128xf32, #tpu.memory_space<vmem>>) offsets(%dma_start3A_14 : memref<96xi32, #tpu.memory_space<vmem>>) semaphore(%arg7 : memref<!tpu.dma_semaphore, #tpu.memory_space<semaphore_mem>>)
    %dma_start3A_18 = arith.constant 192 : i32
    %dma_start3A_19 = arith.constant 0 : i32
    %dma_start3A_20 = tpu.memref_slice %arg6[%dma_start3A_18, %dma_start3A_19] : memref<288x128xf32, #tpu.memory_space<vmem>> -> memref<96x128xf32, #tpu.memory_space<vmem>>
    %dma_start3A_21 = arith.constant 192 : i32
    %dma_start3A_22 = tpu.memref_slice %arg5[%dma_start3A_21] : memref<288xi32, #tpu.memory_space<vmem>> -> memref<96xi32, #tpu.memory_space<vmem>>
    %dma_start3A_23 = arith.constant 0 : i32
    %dma_start3A_24 = arith.constant 0 : i32
    %dma_start3A_25 = tpu.memref_slice %arg2[%dma_start3A_23, %dma_start3A_24] : memref<1024x128xf32, #tpu.memory_space<hbm>> -> memref<1024x128xf32, #tpu.memory_space<hbm>>
    tpu.enqueue_indirect_dma source(%dma_start3A_25 : memref<1024x128xf32, #tpu.memory_space<hbm>>) target(%dma_start3A_20 : memref<96x128xf32, #tpu.memory_space<vmem>>) offsets(%dma_start3A_22 : memref<96xi32, #tpu.memory_space<vmem>>) semaphore(%arg7 : memref<!tpu.dma_semaphore, #tpu.memory_space<semaphore_mem>>)
    %dma_wait3A = arith.constant 0 : i32
    %dma_wait3A_26 = arith.constant 0 : i32
    %dma_wait3A_27 = tpu.memref_slice %arg6[%dma_wait3A, %dma_wait3A_26] : memref<288x128xf32, #tpu.memory_space<vmem>> -> memref<96x128xf32, #tpu.memory_space<vmem>>
    %dma_wait3A_28 = arith.constant 0 : i32
    %dma_wait3A_29 = tpu.memref_slice %arg5[%dma_wait3A_28] : memref<288xi32, #tpu.memory_space<vmem>> -> memref<96xi32, #tpu.memory_space<vmem>>
    %dma_wait3A_30 = arith.constant 0 : i32
    %dma_wait3A_31 = arith.constant 0 : i32
    %dma_wait3A_32 = tpu.memref_slice %arg2[%dma_wait3A_30, %dma_wait3A_31] : memref<1024x128xf32, #tpu.memory_space<hbm>> -> memref<1024x128xf32, #tpu.memory_space<hbm>>
    tpu.wait_indirect_dma semaphore(%arg7 : memref<!tpu.dma_semaphore, #tpu.memory_space<semaphore_mem>>) src(%dma_wait3A_32 : memref<1024x128xf32, #tpu.memory_space<hbm>>) dst(%dma_wait3A_27 : memref<96x128xf32, #tpu.memory_space<vmem>>)
    %dma_wait3A_33 = arith.constant 96 : i32
    %dma_wait3A_34 = arith.constant 0 : i32
    %dma_wait3A_35 = tpu.memref_slice %arg6[%dma_wait3A_33, %dma_wait3A_34] : memref<288x128xf32, #tpu.memory_space<vmem>> -> memref<96x128xf32, #tpu.memory_space<vmem>>
    %dma_wait3A_36 = arith.constant 96 : i32
    %dma_wait3A_37 = tpu.memref_slice %arg5[%dma_wait3A_36] : memref<288xi32, #tpu.memory_space<vmem>> -> memref<96xi32, #tpu.memory_space<vmem>>
    %dma_wait3A_38 = arith.constant 0 : i32
    %dma_wait3A_39 = arith.constant 0 : i32
    %dma_wait3A_40 = tpu.memref_slice %arg2[%dma_wait3A_38, %dma_wait3A_39] : memref<1024x128xf32, #tpu.memory_space<hbm>> -> memref<1024x128xf32, #tpu.memory_space<hbm>>
    tpu.wait_indirect_dma semaphore(%arg7 : memref<!tpu.dma_semaphore, #tpu.memory_space<semaphore_mem>>) src(%dma_wait3A_40 : memref<1024x128xf32, #tpu.memory_space<hbm>>) dst(%dma_wait3A_35 : memref<96x128xf32, #tpu.memory_space<vmem>>)
    %dma_wait3A_41 = arith.constant 192 : i32
    %dma_wait3A_42 = arith.constant 0 : i32
    %dma_wait3A_43 = tpu.memref_slice %arg6[%dma_wait3A_41, %dma_wait3A_42] : memref<288x128xf32, #tpu.memory_space<vmem>> -> memref<96x128xf32, #tpu.memory_space<vmem>>
    %dma_wait3A_44 = arith.constant 192 : i32
    %dma_wait3A_45 = tpu.memref_slice %arg5[%dma_wait3A_44] : memref<288xi32, #tpu.memory_space<vmem>> -> memref<96xi32, #tpu.memory_space<vmem>>
    %dma_wait3A_46 = arith.constant 0 : i32
    %dma_wait3A_47 = arith.constant 0 : i32
    %dma_wait3A_48 = tpu.memref_slice %arg2[%dma_wait3A_46, %dma_wait3A_47] : memref<1024x128xf32, #tpu.memory_space<hbm>> -> memref<1024x128xf32, #tpu.memory_space<hbm>>
    tpu.wait_indirect_dma semaphore(%arg7 : memref<!tpu.dma_semaphore, #tpu.memory_space<semaphore_mem>>) src(%dma_wait3A_48 : memref<1024x128xf32, #tpu.memory_space<hbm>>) dst(%dma_wait3A_43 : memref<96x128xf32, #tpu.memory_space<vmem>>)
    "tpu.region"() ({
      %run_scoped3A = tpu.sem_alloc : memref<!tpu.dma_semaphore, #tpu.memory_space<semaphore_mem>>
      %dma_start3A_49 = arith.constant 0 : i32
      %dma_start3A_50 = tpu.memref_slice %arg4[%mul3A_2, %dma_start3A_49] : memref<9216x128xf32, #tpu.memory_space<hbm>> -> memref<288x128xf32, #tpu.memory_space<hbm>>
      %dma_start3A_51 = arith.constant 0 : i32
      %dma_start3A_52 = tpu.memref_slice %arg4[%mul3A_2, %dma_start3A_51] : memref<9216x128xf32, #tpu.memory_space<hbm>> -> memref<288x128xf32, #tpu.memory_space<hbm>>
      tpu.enqueue_dma source(%arg6 : memref<288x128xf32, #tpu.memory_space<vmem>>) target(%dma_start3A_52 : memref<288x128xf32, #tpu.memory_space<hbm>>) target_semaphore(%run_scoped3A : memref<!tpu.dma_semaphore, #tpu.memory_space<semaphore_mem>>)
      %dma_wait3A_53 = arith.constant 0 : i32
      %dma_wait3A_54 = tpu.memref_slice %arg4[%mul3A_2, %dma_wait3A_53] : memref<9216x128xf32, #tpu.memory_space<hbm>> -> memref<288x128xf32, #tpu.memory_space<hbm>>
      %dma_wait3A_55 = arith.constant 0 : i32
      %dma_wait3A_56 = tpu.memref_slice %arg4[%mul3A_2, %dma_wait3A_55] : memref<9216x128xf32, #tpu.memory_space<hbm>> -> memref<288x128xf32, #tpu.memory_space<hbm>>
      tpu.wait_dma2 semaphore(%run_scoped3A : memref<!tpu.dma_semaphore, #tpu.memory_space<semaphore_mem>>) src(%arg6 : memref<288x128xf32, #tpu.memory_space<vmem>>) dst(%dma_wait3A_56 : memref<288x128xf32, #tpu.memory_space<hbm>>)
      tpu.yield
    }) : () -> ()
    return
  }
}

module attributes {stable_mosaic.version = 14 : i64} {
  func.func @_argmin_qq_body(%arg0: i32, %arg1: memref<2304x64xf32, #tpu.memory_space<vmem>>, %arg2: memref<1024x64xf32, #tpu.memory_space<vmem>>, %arg3: memref<2304x1xi32, #tpu.memory_space<vmem>>, %arg4: memref<1x1xf32, #tpu.memory_space<smem>>) attributes {dimension_semantics = [#tpu.dimension_semantics<arbitrary>], iteration_bounds = array<i64: 4>, scalar_prefetch = 0 : i64, scratch_operands = 0 : i64, tpu.core_type = #tpu.core_type<tc>, window_params = [{transform_indices = @transform_0, window_bounds = array<i64: 2304, 64>}, {pipeline_mode = #tpu.pipeline_mode<synchronous>, transform_indices = @transform_1, window_bounds = array<i64: 1024, 64>}, {transform_indices = @transform_2, window_bounds = array<i64: 2304, 1>}, {transform_indices = @transform_3, window_bounds = array<i64: 1, 1>}]} {
    %get3A = arith.constant 0 : index
    %get3A_0 = arith.constant 0 : index
    %get3A_1 = vector.load %arg1[%get3A, %get3A_0] : memref<2304x64xf32, #tpu.memory_space<vmem>>, vector<2304x64xf32>
    %get3A_2 = arith.constant 0 : index
    %get3A_3 = arith.constant 0 : index
    %get3A_4 = vector.load %arg2[%get3A_2, %get3A_3] : memref<1024x64xf32, #tpu.memory_space<vmem>>, vector<1024x64xf32>
    %mul3A = arith.mulf %get3A_1, %get3A_1 : vector<2304x64xf32>
    %reduce_sum3A = arith.constant dense<0.000000e+00> : vector<2304xf32>
    %reduce_sum3A_5 = vector.multi_reduction <add>, %mul3A, %reduce_sum3A [1] : vector<2304x64xf32> to vector<2304xf32>
    %broadcast_in_dim3A = vector.shape_cast %reduce_sum3A_5 : vector<2304xf32> to vector<2304x1xf32>
    %mul3A_6 = arith.mulf %get3A_4, %get3A_4 : vector<1024x64xf32>
    %reduce_sum3A_7 = arith.constant dense<0.000000e+00> : vector<1024xf32>
    %reduce_sum3A_8 = vector.multi_reduction <add>, %mul3A_6, %reduce_sum3A_7 [1] : vector<1024x64xf32> to vector<1024xf32>
    %dot_general3A = arith.constant dense<0.000000e+00> : vector<2304x1024xf32>
    %dot_general3A_9 = tpu.matmul %get3A_1, %get3A_4, %dot_general3A {dimension_numbers = #tpu.dot_dimension_numbers<[1], [1], [0], [0], [0, 0, 1, 0], [], []>, transpose_lhs_hint = false} : vector<2304x64xf32>, vector<1024x64xf32>, vector<2304x1024xf32> -> vector<2304x1024xf32>
    %mul3A_10 = arith.constant 2.000000e+00 : f32
    %mul3A_11 = vector.broadcast %mul3A_10 : f32 to vector<2304x1024xf32>
    %mul3A_12 = arith.mulf %mul3A_11, %dot_general3A_9 : vector<2304x1024xf32>
    %broadcast_in_dim3A_13 = vector.shape_cast %reduce_sum3A_8 : vector<1024xf32> to vector<1x1024xf32>
    %add3A = vector.broadcast %broadcast_in_dim3A : vector<2304x1xf32> to vector<2304x1024xf32>
    %add3A_14 = vector.broadcast %broadcast_in_dim3A_13 : vector<1x1024xf32> to vector<2304x1024xf32>
    %add3A_15 = arith.addf %add3A, %add3A_14 : vector<2304x1024xf32>
    %sub3A = arith.subf %add3A_15, %mul3A_12 : vector<2304x1024xf32>
    %iota3A = tpu.iota {dimensions = array<i32: 1>} : vector<2304x1024xi32>
    %reduce_min3A = arith.constant dense<0x7F800000> : vector<2304xf32>
    %reduce_min3A_16 = vector.multi_reduction <minimumf>, %sub3A, %reduce_min3A [1] : vector<2304x1024xf32> to vector<2304xf32>
    %broadcast_in_dim3A_17 = vector.shape_cast %reduce_min3A_16 : vector<2304xf32> to vector<2304x1xf32>
    %eq3A = vector.broadcast %broadcast_in_dim3A_17 : vector<2304x1xf32> to vector<2304x1024xf32>
    %eq3A_18 = arith.cmpf oeq, %sub3A, %eq3A : vector<2304x1024xf32>
    %jit3A = arith.constant 1024 : i32
    %broadcast_in_dim3A_19 = vector.broadcast %jit3A : i32 to vector<2304x1024xi32>
    %select_n3A = arith.select %eq3A_18, %iota3A, %broadcast_in_dim3A_19 : vector<2304x1024xi1>, vector<2304x1024xi32>
    %reduce_min3A_20 = arith.constant dense<2147483647> : vector<2304xi32>
    %reduce_min3A_21 = vector.multi_reduction <minsi>, %select_n3A, %reduce_min3A_20 [1] : vector<2304x1024xi32> to vector<2304xi32>
    %broadcast_in_dim3A_22 = vector.shape_cast %reduce_min3A_21 : vector<2304xi32> to vector<2304x1xi32>
    %swap3A = arith.constant 0 : index
    %swap3A_23 = arith.constant 0 : index
    %swap3A_24 = vector.load %arg3[%swap3A, %swap3A_23] : memref<2304x1xi32, #tpu.memory_space<vmem>>, vector<2304x1xi32>
    tpu.vector_store %arg3[%swap3A, %swap3A_23], %broadcast_in_dim3A_22 {strides = array<i32>} : memref<2304x1xi32, #tpu.memory_space<vmem>>, vector<2304x1xi32>,
    %eq3A_25 = arith.constant 0 : i32
    %eq3A_26 = arith.cmpi eq, %arg0, %eq3A_25 : i32
    %convert_element_type3A = arith.extui %eq3A_26 : i1 to i32
    %cond3A = arith.constant 0 : i32
    %cond3A_27 = arith.cmpi ne, %convert_element_type3A, %cond3A : i32
    scf.if %cond3A_27 {
      %broadcast_in_dim3A_28 = vector.shape_cast %reduce_sum3A_8 : vector<1024xf32> to vector<1024x1xf32>
      %broadcast_in_dim3A_29 = vector.shape_cast %reduce_sum3A_8 : vector<1024xf32> to vector<1x1024xf32>
      %add3A_30 = vector.broadcast %broadcast_in_dim3A_28 : vector<1024x1xf32> to vector<1024x1024xf32>
      %add3A_31 = vector.broadcast %broadcast_in_dim3A_29 : vector<1x1024xf32> to vector<1024x1024xf32>
      %add3A_32 = arith.addf %add3A_30, %add3A_31 : vector<1024x1024xf32>
      %dot_general3A_33 = arith.constant dense<0.000000e+00> : vector<1024x1024xf32>
      %dot_general3A_34 = tpu.matmul %get3A_4, %get3A_4, %dot_general3A_33 {dimension_numbers = #tpu.dot_dimension_numbers<[1], [1], [0], [0], [0, 0, 1, 0], [], []>, transpose_lhs_hint = false} : vector<1024x64xf32>, vector<1024x64xf32>, vector<1024x1024xf32> -> vector<1024x1024xf32>
      %mul3A_35 = arith.constant 2.000000e+00 : f32
      %mul3A_36 = vector.broadcast %mul3A_35 : f32 to vector<1024x1024xf32>
      %mul3A_37 = arith.mulf %mul3A_36, %dot_general3A_34 : vector<1024x1024xf32>
      %sub3A_38 = arith.subf %add3A_32, %mul3A_37 : vector<1024x1024xf32>
      %max3A = arith.constant 0.000000e+00 : f32
      %max3A_39 = vector.broadcast %max3A : f32 to vector<1024x1024xf32>
      %max3A_40 = arith.maximumf %sub3A_38, %max3A_39 : vector<1024x1024xf32>
      %gt3A = arith.constant 0.000000e+00 : f32
      %gt3A_41 = vector.broadcast %gt3A : f32 to vector<1024x1024xf32>
      %gt3A_42 = arith.cmpf ogt, %max3A_40, %gt3A_41 : vector<1024x1024xf32>
      %gt3A_43 = arith.constant 0.000000e+00 : f32
      %gt3A_44 = vector.broadcast %gt3A_43 : f32 to vector<1024x1024xf32>
      %gt3A_45 = arith.cmpf ogt, %max3A_40, %gt3A_44 : vector<1024x1024xf32>
      %jit3A_46 = arith.constant 1.000000e+00 : f32
      %broadcast_in_dim3A_47 = vector.broadcast %jit3A_46 : f32 to vector<1024x1024xf32>
      %select_n3A_48 = arith.select %gt3A_45, %max3A_40, %broadcast_in_dim3A_47 : vector<1024x1024xi1>, vector<1024x1024xf32>
      %sqrt3A = math.sqrt %select_n3A_48 : vector<1024x1024xf32>
      %jit3A_49 = arith.constant 0.000000e+00 : f32
      %broadcast_in_dim3A_50 = vector.broadcast %jit3A_49 : f32 to vector<1024x1024xf32>
      %select_n3A_51 = arith.select %gt3A_42, %sqrt3A, %broadcast_in_dim3A_50 : vector<1024x1024xi1>, vector<1024x1024xf32>
      %reduce_min3A_52 = arith.constant dense<0x7F800000> : vector<1024xf32>
      %reduce_min3A_53 = vector.multi_reduction <minimumf>, %select_n3A_51, %reduce_min3A_52 [1] : vector<1024x1024xf32> to vector<1024xf32>
      %reduce_max3A = arith.constant dense<0xFF800000> : vector<1024xf32>
      %reduce_max3A_54 = vector.multi_reduction <maximumf>, %select_n3A_51, %reduce_max3A [1] : vector<1024x1024xf32> to vector<1024xf32>
      %sub3A_55 = arith.subf %reduce_max3A_54, %reduce_min3A_53 : vector<1024xf32>
      %reduce_sum3A_56 = vector.shape_cast %sub3A_55 : vector<1024xf32> to vector<1x1024xf32>
      %reduce_sum3A_57 = arith.constant dense<0.000000e+00> : vector<1xf32>
      %reduce_sum3A_58 = vector.multi_reduction <add>, %reduce_sum3A_56, %reduce_sum3A_57 [1] : vector<1x1024xf32> to vector<1xf32>
      %reduce_sum3A_59 = vector.shape_cast %reduce_sum3A_58 : vector<1xf32> to vector<1x1xf32>
      %reduce_sum3A_60 = vector.extract %reduce_sum3A_59[0, 0] : f32 from vector<1x1xf32>
      %div3A = arith.constant 1.024000e+03 : f32
      %div3A_61 = arith.divf %reduce_sum3A_60, %div3A : f32
      %mul3A_62 = arith.constant 1.000000e-01 : f32
      %mul3A_63 = arith.mulf %mul3A_62, %div3A_61 : f32
      %mul3A_64 = arith.mulf %get3A_4, %get3A_4 : vector<1024x64xf32>
      %reduce_sum3A_65 = vector.shape_cast %mul3A_64 : vector<1024x64xf32> to vector<1x1024x64xf32>
      %reduce_sum3A_66 = arith.constant dense<0.000000e+00> : vector<1xf32>
      %reduce_sum3A_67 = vector.multi_reduction <add>, %reduce_sum3A_65, %reduce_sum3A_66 [1, 2] : vector<1x1024x64xf32> to vector<1xf32>
      %reduce_sum3A_68 = vector.shape_cast %reduce_sum3A_67 : vector<1xf32> to vector<1x1x1xf32>
      %reduce_sum3A_69 = vector.extract %reduce_sum3A_68[0, 0, 0] : f32 from vector<1x1x1xf32>
      %mul3A_70 = arith.constant 1.000000e-01 : f32
      %mul3A_71 = arith.mulf %mul3A_70, %reduce_sum3A_69 : f32
      %add3A_72 = arith.addf %mul3A_63, %mul3A_71 : f32
      %swap3A_73 = arith.constant 0 : index
      %swap3A_74 = arith.constant 0 : index
      %swap3A_75 = memref.load %arg4[%swap3A_73, %swap3A_74] : memref<1x1xf32, #tpu.memory_space<smem>>
      memref.store %add3A_72, %arg4[%swap3A_73, %swap3A_74] : memref<1x1xf32, #tpu.memory_space<smem>>
    } else {
    }
    return
  }
  func.func @transform_0(%arg0: i32) -> (i32, i32) {
    %c0_i32 = arith.constant 0 : i32
    %c0_i32_0 = arith.constant 0 : i32
    return %arg0, %c0_i32 : i32, i32
  }
  func.func @transform_1(%arg0: i32) -> (i32, i32) {
    %c0_i32 = arith.constant 0 : i32
    %c0_i32_0 = arith.constant 0 : i32
    %c0_i32_1 = arith.constant 0 : i32
    return %c0_i32, %c0_i32_0 : i32, i32
  }
  func.func @transform_2(%arg0: i32) -> (i32, i32) {
    %c0_i32 = arith.constant 0 : i32
    %c0_i32_0 = arith.constant 0 : i32
    return %arg0, %c0_i32 : i32, i32
  }
  func.func @transform_3(%arg0: i32) -> (i32, i32) {
    %c0_i32 = arith.constant 0 : i32
    %c0_i32_0 = arith.constant 0 : i32
    %c0_i32_1 = arith.constant 0 : i32
    return %c0_i32, %c0_i32_0 : i32, i32
  }
}

module attributes {stable_mosaic.version = 14 : i64} {
  func.func @_argmin_body(%arg0: i32, %arg1: memref<2304x64xf32, #tpu.memory_space<vmem>>, %arg2: memref<1024x64xf32, #tpu.memory_space<vmem>>, %arg3: memref<2304x1xi32, #tpu.memory_space<vmem>>) attributes {dimension_semantics = [#tpu.dimension_semantics<arbitrary>], iteration_bounds = array<i64: 4>, scalar_prefetch = 0 : i64, scratch_operands = 0 : i64, tpu.core_type = #tpu.core_type<tc>, window_params = [{transform_indices = @transform_0, window_bounds = array<i64: 2304, 64>}, {pipeline_mode = #tpu.pipeline_mode<synchronous>, transform_indices = @transform_1, window_bounds = array<i64: 1024, 64>}, {transform_indices = @transform_2, window_bounds = array<i64: 2304, 1>}]} {
    %get3A = arith.constant 0 : index
    %get3A_0 = arith.constant 0 : index
    %get3A_1 = vector.load %arg1[%get3A, %get3A_0] : memref<2304x64xf32, #tpu.memory_space<vmem>>, vector<2304x64xf32>
    %get3A_2 = arith.constant 0 : index
    %get3A_3 = arith.constant 0 : index
    %get3A_4 = vector.load %arg2[%get3A_2, %get3A_3] : memref<1024x64xf32, #tpu.memory_space<vmem>>, vector<1024x64xf32>
    %mul3A = arith.mulf %get3A_1, %get3A_1 : vector<2304x64xf32>
    %reduce_sum3A = arith.constant dense<0.000000e+00> : vector<2304xf32>
    %reduce_sum3A_5 = vector.multi_reduction <add>, %mul3A, %reduce_sum3A [1] : vector<2304x64xf32> to vector<2304xf32>
    %broadcast_in_dim3A = vector.shape_cast %reduce_sum3A_5 : vector<2304xf32> to vector<2304x1xf32>
    %mul3A_6 = arith.mulf %get3A_4, %get3A_4 : vector<1024x64xf32>
    %reduce_sum3A_7 = arith.constant dense<0.000000e+00> : vector<1024xf32>
    %reduce_sum3A_8 = vector.multi_reduction <add>, %mul3A_6, %reduce_sum3A_7 [1] : vector<1024x64xf32> to vector<1024xf32>
    %dot_general3A = arith.constant dense<0.000000e+00> : vector<2304x1024xf32>
    %dot_general3A_9 = tpu.matmul %get3A_1, %get3A_4, %dot_general3A {dimension_numbers = #tpu.dot_dimension_numbers<[1], [1], [0], [0], [0, 0, 1, 0], [], []>, transpose_lhs_hint = false} : vector<2304x64xf32>, vector<1024x64xf32>, vector<2304x1024xf32> -> vector<2304x1024xf32>
    %mul3A_10 = arith.constant 2.000000e+00 : f32
    %mul3A_11 = vector.broadcast %mul3A_10 : f32 to vector<2304x1024xf32>
    %mul3A_12 = arith.mulf %mul3A_11, %dot_general3A_9 : vector<2304x1024xf32>
    %broadcast_in_dim3A_13 = vector.shape_cast %reduce_sum3A_8 : vector<1024xf32> to vector<1x1024xf32>
    %add3A = vector.broadcast %broadcast_in_dim3A : vector<2304x1xf32> to vector<2304x1024xf32>
    %add3A_14 = vector.broadcast %broadcast_in_dim3A_13 : vector<1x1024xf32> to vector<2304x1024xf32>
    %add3A_15 = arith.addf %add3A, %add3A_14 : vector<2304x1024xf32>
    %sub3A = arith.subf %add3A_15, %mul3A_12 : vector<2304x1024xf32>
    %iota3A = tpu.iota {dimensions = array<i32: 1>} : vector<2304x1024xi32>
    %reduce_min3A = arith.constant dense<0x7F800000> : vector<2304xf32>
    %reduce_min3A_16 = vector.multi_reduction <minimumf>, %sub3A, %reduce_min3A [1] : vector<2304x1024xf32> to vector<2304xf32>
    %broadcast_in_dim3A_17 = vector.shape_cast %reduce_min3A_16 : vector<2304xf32> to vector<2304x1xf32>
    %eq3A = vector.broadcast %broadcast_in_dim3A_17 : vector<2304x1xf32> to vector<2304x1024xf32>
    %eq3A_18 = arith.cmpf oeq, %sub3A, %eq3A : vector<2304x1024xf32>
    %jit3A = arith.constant 1024 : i32
    %broadcast_in_dim3A_19 = vector.broadcast %jit3A : i32 to vector<2304x1024xi32>
    %select_n3A = arith.select %eq3A_18, %iota3A, %broadcast_in_dim3A_19 : vector<2304x1024xi1>, vector<2304x1024xi32>
    %reduce_min3A_20 = arith.constant dense<2147483647> : vector<2304xi32>
    %reduce_min3A_21 = vector.multi_reduction <minsi>, %select_n3A, %reduce_min3A_20 [1] : vector<2304x1024xi32> to vector<2304xi32>
    %broadcast_in_dim3A_22 = vector.shape_cast %reduce_min3A_21 : vector<2304xi32> to vector<2304x1xi32>
    %swap3A = arith.constant 0 : index
    %swap3A_23 = arith.constant 0 : index
    %swap3A_24 = vector.load %arg3[%swap3A, %swap3A_23] : memref<2304x1xi32, #tpu.memory_space<vmem>>, vector<2304x1xi32>
    tpu.vector_store %arg3[%swap3A, %swap3A_23], %broadcast_in_dim3A_22 {strides = array<i32>} : memref<2304x1xi32, #tpu.memory_space<vmem>>, vector<2304x1xi32>,
    return
  }
  func.func @transform_0(%arg0: i32) -> (i32, i32) {
    %c0_i32 = arith.constant 0 : i32
    %c0_i32_0 = arith.constant 0 : i32
    return %arg0, %c0_i32 : i32, i32
  }
  func.func @transform_1(%arg0: i32) -> (i32, i32) {
    %c0_i32 = arith.constant 0 : i32
    %c0_i32_0 = arith.constant 0 : i32
    %c0_i32_1 = arith.constant 0 : i32
    return %c0_i32, %c0_i32_0 : i32, i32
  }
  func.func @transform_2(%arg0: i32) -> (i32, i32) {
    %c0_i32 = arith.constant 0 : i32
    %c0_i32_0 = arith.constant 0 : i32
    return %arg0, %c0_i32 : i32, i32
  }
}

module attributes {stable_mosaic.version = 14 : i64} {
  func.func @_finish_body(%arg0: i32, %arg1: memref<2304x64xf32, #tpu.memory_space<vmem>>, %arg2: memref<2304x128xf32, #tpu.memory_space<vmem>>, %arg3: memref<2304x64xf32, #tpu.memory_space<vmem>>, %arg4: memref<1x1xf32, #tpu.memory_space<smem>>) attributes {dimension_semantics = [#tpu.dimension_semantics<arbitrary>], iteration_bounds = array<i64: 4>, scalar_prefetch = 0 : i64, scratch_operands = 0 : i64, tpu.core_type = #tpu.core_type<tc>, window_params = [{transform_indices = @transform_0, window_bounds = array<i64: 2304, 64>}, {transform_indices = @transform_1, window_bounds = array<i64: 2304, 128>}, {transform_indices = @transform_2, window_bounds = array<i64: 2304, 64>}, {transform_indices = @transform_3, window_bounds = array<i64: 1, 1>}]} {
    %get3A = arith.constant 0 : index
    %get3A_0 = arith.constant 0 : index
    %get3A_1 = vector.load %arg1[%get3A, %get3A_0] : memref<2304x64xf32, #tpu.memory_space<vmem>>, vector<2304x64xf32>
    %get3A_2 = arith.constant 0 : index
    %get3A_3 = arith.constant 0 : index
    %get3A_4 = vector.load %arg2[%get3A_2, %get3A_3] : memref<2304x128xf32, #tpu.memory_space<vmem>>, vector<2304x64xf32>
    %sub3A = arith.subf %get3A_4, %get3A_1 : vector<2304x64xf32>
    %add3A = arith.addf %get3A_1, %sub3A : vector<2304x64xf32>
    %swap3A = arith.constant 0 : index
    %swap3A_5 = arith.constant 0 : index
    %swap3A_6 = vector.load %arg3[%swap3A, %swap3A_5] : memref<2304x64xf32, #tpu.memory_space<vmem>>, vector<2304x64xf32>
    tpu.vector_store %arg3[%swap3A, %swap3A_5], %add3A {strides = array<i32>} : memref<2304x64xf32, #tpu.memory_space<vmem>>, vector<2304x64xf32>,
    %sub3A_7 = arith.subf %get3A_4, %get3A_1 : vector<2304x64xf32>
    %mul3A = arith.mulf %sub3A_7, %sub3A_7 : vector<2304x64xf32>
    %reduce_sum3A = vector.shape_cast %mul3A : vector<2304x64xf32> to vector<1x2304x64xf32>
    %reduce_sum3A_8 = arith.constant dense<0.000000e+00> : vector<1xf32>
    %reduce_sum3A_9 = vector.multi_reduction <add>, %reduce_sum3A, %reduce_sum3A_8 [1, 2] : vector<1x2304x64xf32> to vector<1xf32>
    %reduce_sum3A_10 = vector.shape_cast %reduce_sum3A_9 : vector<1xf32> to vector<1x1x1xf32>
    %reduce_sum3A_11 = vector.extract %reduce_sum3A_10[0, 0, 0] : f32 from vector<1x1x1xf32>
    %eq3A = arith.constant 0 : i32
    %eq3A_12 = arith.cmpi eq, %arg0, %eq3A : i32
    %convert_element_type3A = arith.extui %eq3A_12 : i1 to i32
    %cond3A = arith.constant 0 : i32
    %cond3A_13 = arith.cmpi ne, %convert_element_type3A, %cond3A : i32
    scf.if %cond3A_13 {
      %swap3A_18 = arith.constant 0 : index
      %swap3A_19 = arith.constant 0 : index
      %swap3A_20 = memref.load %arg4[%swap3A_18, %swap3A_19] : memref<1x1xf32, #tpu.memory_space<smem>>
      memref.store %reduce_sum3A_11, %arg4[%swap3A_18, %swap3A_19] : memref<1x1xf32, #tpu.memory_space<smem>>
    } else {
    }
    %ne3A = arith.constant 0 : i32
    %ne3A_14 = arith.cmpi ne, %arg0, %ne3A : i32
    %convert_element_type3A_15 = arith.extui %ne3A_14 : i1 to i32
    %cond3A_16 = arith.constant 0 : i32
    %cond3A_17 = arith.cmpi ne, %convert_element_type3A_15, %cond3A_16 : i32
    scf.if %cond3A_17 {
      %get3A_18 = arith.constant 0 : index
      %get3A_19 = arith.constant 0 : index
      %get3A_20 = memref.load %arg4[%get3A_18, %get3A_19] : memref<1x1xf32, #tpu.memory_space<smem>>
      %add3A_21 = arith.addf %get3A_20, %reduce_sum3A_11 : f32
      %swap3A_22 = arith.constant 0 : index
      %swap3A_23 = arith.constant 0 : index
      %swap3A_24 = memref.load %arg4[%swap3A_22, %swap3A_23] : memref<1x1xf32, #tpu.memory_space<smem>>
      memref.store %add3A_21, %arg4[%swap3A_22, %swap3A_23] : memref<1x1xf32, #tpu.memory_space<smem>>
    } else {
    }
    return
  }
  func.func @transform_0(%arg0: i32) -> (i32, i32) {
    %c0_i32 = arith.constant 0 : i32
    %c0_i32_0 = arith.constant 0 : i32
    return %arg0, %c0_i32 : i32, i32
  }
  func.func @transform_1(%arg0: i32) -> (i32, i32) {
    %c0_i32 = arith.constant 0 : i32
    %c0_i32_0 = arith.constant 0 : i32
    return %arg0, %c0_i32 : i32, i32
  }
  func.func @transform_2(%arg0: i32) -> (i32, i32) {
    %c0_i32 = arith.constant 0 : i32
    %c0_i32_0 = arith.constant 0 : i32
    return %arg0, %c0_i32 : i32, i32
  }
  func.func @transform_3(%arg0: i32) -> (i32, i32) {
    %c0_i32 = arith.constant 0 : i32
    %c0_i32_0 = arith.constant 0 : i32
    %c0_i32_1 = arith.constant 0 : i32
    return %c0_i32, %c0_i32_0 : i32, i32
  }
}

</mosaic_0001>

<sc_bundles>
// kernel: kernel.11.cloned.1.call-start
scs
__scs_entry_jumppad:
0x0: {  	(pc) =	sbr.rel $0x88, $3  }
0x1: {  	(tag) =	ssettag $0x0;
	lr =	simm.s32 $0x1  }
0x2: {  	[smem:$0x3F9F] =	sst lr;
	_ =	strace $0xD0000000  }
0x3: {  	_ = 	snop  }
0x4: {  	_ = 	snop  }
0x5: {  	_ = 	snop  }
0x6: {  	_ = 	snop  }
0x7: {  	_ = 	snop  }
__scs_overlays_trampoline_lowered:
0x8: {  	[smem:$0x3FAE] =	sst s0  }
0x9: {  	[smem:$0x3FAF] =	sst s1  }
0xa: {  	[smem:$0x3FB0] =	sst s2  }
0xb: {  	[smem:$0x3FB1] =	sst s3  }
0xc: {  	[smem:$0x3FB2] =	sst s4  }
0xd: {  	[smem:$0x3FB3] =	sst s5  }
0xe: {  	[smem:$0x3FB4] =	sst s6  }
0xf: {  	[smem:$0x3FB5] =	sst s7  }
0x10: {  	[smem:$0x3FB6] =	sst s8  }
0x11: {  	[smem:$0x3FB7] =	sst s9;
	s0 =	simm.s32 @!p0 $0x0  }
0x12: {  	s1 =	sld [smem:$0x3F9D];
	s0 =	simm.s32 @p0 $0x1  }
0x13: {  	[smem:$0x3FB8] =	sst s0;
	s0 =	simm.s32 @!p1 $0x0  }
0x14: {  	s2 =	sld [smem:$0x3F9C];
	s0 =	simm.s32 @p1 $0x1  }
0x15: {  	[smem:$0x3FB9] =	sst s0;
	s0 =	simm.s32 @!p2 $0x0  }
0x16: {  	s3 =	sld [smem:$0x3FDB];
	s0 =	simm.s32 @p2 $0x1  }
0x17: {  	s4 =	simm.s32 $0x1BF5;
	[smem:$0x3FBB] =	sst s0  }
0x18: {  	s0 =	sld [smem:$0x3F9E];
	_ =	swait.ge [sflag:s4], $0x0  }
0x19: {  	s7 =	sld [smem:$0x3F9F]  }
0x1a: {  	s8 =	sadd.s32 $0xFFFFE003, lr  }
0x1b: {  	s9 =	sadd.s32 $0xFFFFFEF7, lr;
	s5 =	simm.s32 $0xFFFFFFFF;
	p2 =	slt.u32 s8, $0xFFFFF086  }
0x1c: {  	p1 =	slt.u32 s9, $0xF7A;
	s5 =	simm.s32 @!p2 $0x0  }
0x1d: {  	s5 =	simm.s32 @p1 $0x1;
	p0 =	seq.s32 s7, s2  }
0x1e: {  	s7 =	smul.u32 @!p0 $0xF7A, s2;
	p2 =	seq.s32 @!p0 s5, $0x0  }
0x1f: {  	s9 =	smul.u32 $0xF7A, s1;
	s8 =	simm.s32 @!p0 $0x1BF5;
	p2 =	por !p2, p0  }
0x20: {  	[sflag:s8] =	ssyncset.s32 @!p0 $0xFFFFF086;
	s6 =	sadd.s32 @!p0 s3, s7;
	s7 =	simm.s32 @!p0 $0x108  }
0x21: {  	s3 =	sadd.s32 s3, s9;
	s6 =	sadd.s32 @!p0 $0x88, s6;
	s7 =	simm.s32 @p2 $0x1082  }
0x22: {  	[simem:s7], [sflag:s8] =	dma.local @!p0 [hbm:s6], $0xF7A  }
0x23: {  	s9 =	sor.u32 $0xD0000000, s2;
	s6 =	simm.s32 $0x108;
	_ =	swait.ge @!p0 [sflag:s8], $0x0  }
0x24: {  	s3 =	sadd.s32 $0x88, s3;
	s6 =	simm.s32 @!p1 $0x1082;
	[sflag:s4] =	ssyncset.s32 $0xFFFFF086  }
0x25: {  	[simem:s6], [sflag:s4] =	dma.local [hbm:s3], $0xF7A  }
0x26: {  	[smem:$0x3F9F] =	sst s1;
	(tag) =	ssettag s2;
	_ =	strace s9  }
0x27: {  	s1 =	sld [smem:$0x3FAF]  }
0x28: {  	s2 =	sld [smem:$0x3FB0]  }
0x29: {  	s4 =	sld [smem:$0x3FB2]  }
0x2a: {  	p0 =	seq.s32 s5, $0x0;
	s5 =	sld [smem:$0x3FB3]  }
0x2b: {  	s6 =	sld [smem:$0x3FB4]  }
0x2c: {  	s7 =	sld [smem:$0x3FB5]  }
0x2d: {  	s3 =	simm.s32 $0x108;
	s8 =	sld [smem:$0x3FB6]  }
0x2e: {  	s3 =	simm.s32 @!p0 $0x1082;
	s9 =	sld [smem:$0x3FB7]  }
0x2f: {  	lr =	sadd.s32 s0, s3;
	s0 =	sld [smem:$0x3FAE]  }
0x30: {  	s3 =	sld [smem:$0x3FB1]  }
0x31: {  	[smem:$0x3FBA] =	sst s10  }
0x32: {  	s10 =	sld [smem:$0x3FB8];
	_ =	sdelay $0x3  }
0x33: {  	p0 =	seq.s32 s10, $0x1;
	s10 =	sld [smem:$0x3FBA];
	_ =	sdelay $0x3  }
0x34: {  	[smem:$0x3FBA] =	sst s10  }
0x35: {  	s10 =	sld [smem:$0x3FB9];
	_ =	sdelay $0x3  }
0x36: {  	p1 =	seq.s32 s10, $0x1;
	s10 =	sld [smem:$0x3FBA];
	_ =	sdelay $0x3  }
0x37: {  	[smem:$0x3FBA] =	sst s10  }
0x38: {  	s10 =	sld [smem:$0x3FBB]  }
0x39: {  	_ = 	snop;
	(pc) =	sbr.ind lr, $3  }
0x3a: {  	_ = 	snop  }
0x3b: {  	_ = 	snop  }
0x3c: {  	p2 =	seq.s32 s10, $0x1;
	s10 =	sld [smem:$0x3FBA]  }
0x3d: {  	_ =	shalt  }
0x3e: {  	_ =	shalt  }
0x3f: {  	_ =	shalt  }
0x40: {  	_ =	shalt  }
0x41: {  	_ =	shalt  }
0x42: {  	_ =	shalt  }
0x43: {  	_ =	shalt  }
0x44: {  	_ =	shalt  }
0x45: {  	_ =	shalt  }
0x46: {  	_ =	shalt  }
0x47: {  	_ =	shalt  }
0x48: {  	_ =	shalt  }
0x49: {  	_ =	shalt  }
0x4a: {  	_ =	shalt  }
0x4b: {  	_ =	shalt  }
0x4c: {  	_ =	shalt  }
0x4d: {  	_ =	shalt  }
0x4e: {  	_ =	shalt  }
0x4f: {  	_ =	shalt  }
0x50: {  	_ =	shalt  }
0x51: {  	_ =	shalt  }
0x52: {  	_ =	shalt  }
0x53: {  	_ =	shalt  }
0x54: {  	_ =	shalt  }
0x55: {  	_ =	shalt  }
0x56: {  	_ =	shalt  }
0x57: {  	_ =	shalt  }
0x58: {  	_ =	shalt  }
0x59: {  	_ =	shalt  }
0x5a: {  	_ =	shalt  }
0x5b: {  	_ =	shalt  }
0x5c: {  	_ =	shalt  }
0x5d: {  	_ =	shalt  }
0x5e: {  	_ =	shalt  }
0x5f: {  	_ =	shalt  }
0x60: {  	_ =	shalt  }
0x61: {  	_ =	shalt  }
0x62: {  	_ =	shalt  }
0x63: {  	_ =	shalt  }
0x64: {  	_ =	shalt  }
0x65: {  	_ =	shalt  }
0x66: {  	_ =	shalt  }
0x67: {  	_ =	shalt  }
0x68: {  	_ =	shalt  }
0x69: {  	_ =	shalt  }
0x6a: {  	_ =	shalt  }
0x6b: {  	_ =	shalt  }
0x6c: {  	_ =	shalt  }
0x6d: {  	_ =	shalt  }
0x6e: {  	_ =	shalt  }
0x6f: {  	_ =	shalt  }
0x70: {  	_ =	shalt  }
0x71: {  	_ =	shalt  }
0x72: {  	_ =	shalt  }
0x73: {  	_ =	shalt  }
0x74: {  	_ =	shalt  }
0x75: {  	_ =	shalt  }
0x76: {  	_ =	shalt  }
0x77: {  	_ =	shalt  }
0x78: {  	_ =	shalt  }
0x79: {  	_ =	shalt  }
0x7a: {  	_ =	shalt  }
0x7b: {  	_ =	shalt  }
0x7c: {  	_ =	shalt  }
0x7d: {  	_ =	shalt  }
0x7e: {  	_ =	shalt  }
0x7f: {  	_ =	shalt  }
0x80: {  	_ =	shalt  }
0x81: {  	_ =	shalt  }
0x82: {  	_ =	shalt  }
0x83: {  	_ =	shalt  }
0x84: {  	_ =	shalt  }
0x85: {  	_ =	shalt  }
0x86: {  	_ =	shalt  }
0x87: {  	_ =	shalt  }
.Lfunc_end0:
.L_simem_size_0:
called_computation.1_lowered:
.L_overlay_start_0:
0x88: {  	s2 =	sld [smem:$0x3FD9]  }
0x89: {  	s3 =	sld [smem:$0x3FFE];
	_ =	sdelay $0x1  }
0x8a: {  	s1 =	srdreg.scid  }
0x8b: {  	s0 =	sand.u32 $0x1, s1  }
0x8c: {  	s15 =	sshll.u32 s0, $0xA;
	s2 =	sadd.s32 s3, s2  }
0x8d: {  	s2 =	sadd.s32 s2, s15  }
0x8e: {  	[smem:$0x3FC6] =	sst s2  }
0x8f: {  	_ = 	snop  }
0x90: {  	s2 =	sld [smem:$0x3FD0];
	_ =	sdelay $0x2  }
0x91: {  	s16 =	simm.s32 $0xB;
	s4 =	simm.s32 $0x10  }
0x92: {  	[smem:s4], [sflag:s16] =	dma.local [hbm:s2], $0x1  }
0x93: {  	_ =	swait.eq [sflag:s16], $0x1  }
0x94: {  	[sflag:s16] =	ssyncset.done $0x0  }
0x95: {  	[sflag:s16] =	ssyncadd.s32 $0xFFFFFFFF  }
0x96: {  	s17 =	sld [smem:$0x10];
	(tm) =	ssettm $0x1  }
0x97: {  	s18 =	sld [smem:$0x3FFB];
	_ =	sdelay $0x3  }
0x98: {  	_ =	strace s18  }
0x99: {  	s2 =	sld [smem:$0x3FFC];
	_ =	sdelay $0x3  }
0x9a: {  	_ =	strace s2  }
0x9b: {  	s2 =	sld [smem:$0x3FFD];
	_ =	sdelay $0x3  }
0x9c: {  	_ =	strace s2  }
0x9d: {  	_ =	strace $0x8FFFFFFF  }
0x9e: {  	s19 =	sld [smem:$0x3FDB];
	_ =	sdelay $0x1  }
0x9f: {  	s20 =	simm.s32 $_scs_section_size  }
0xa0: {  	s5 =	simm.s32 $_size__tile_overlayer_lowered;
	s6 =	simm.s32 $_tile_overlayer_lowered  }
0xa1: {  	s7 =	simm.s32 $0x1BFF;
	s21 =	sshll.u32 s6, $0x1;
	s4 =	sadd.s32 s20, s19  }
0xa2: {  	s22 =	simm.s32 $0x0;
	s5 =	sshll.u32 s5, $0x1;
	s6 =	sadd.s32 s21, s4  }
0xa3: {  	[timem:s22], [sflag:s7] =	dma.local [hbm:s6], s5  }
0xa4: {  	_ =	swait.ge [sflag:s7], s5  }
0xa5: {  	s5 =	ssub.s32 $0x0, s5;
	[sflag:s7] =	ssyncset.done $0x0  }
0xa6: {  	[sflag:s7] =	ssyncadd.s32 s5;
	_ =	sdelay $0x1  }
0xa7: {  	s23 =	simm.s32 $0x1B8B  }
0xa8: {  	_ =	swait.ge [sflag:s23], $0x1  }
0xa9: {  	[sflag:s23] =	ssyncset.done $0x0  }
0xaa: {  	[sflag:s23] =	ssyncadd.s32 $0xFFFFFFFF  }
0xab: {  	s5 =	sld [smem:$0x0]  }
0xac: {  	s6 =	sand.u32 $0xFFFFFFFE, s1  }
0xad: {  	p0 =	sne.s32 s1, s6  }
0xae: {  	s6 =	sshll.u32 @p0 s6, $0xE  }
0xaf: {  	s6 =	sadd.s32 @p0 $0x11B8D, s6;
	s7 =	sshll.u32 @p0 s5, $0x11  }
0xb0: {  	s6 =	sor.u32 @p0 s7, s6  }
0xb1: {  	[sflag:s6] =	ssyncadd.remote.s32 @p0 $0x1;
	_ =	sdelay $0x1  }
0xb2: {  	s6 =	simm.s32 @p0 $0x1B8D  }
0xb3: {  	_ =	swait.eq @p0 [sflag:s6], $0x1  }
0xb4: {  	[sflag:s6] =	ssyncadd.s32 @p0 $0xFFFFFFFF  }
0xb5: {  	s7 =	sshll.u32 @!p0 s1, $0xE  }
0xb6: {  	s7 =	sor.u32 @!p0 $0x4000, s7;
	s6 =	simm.s32 @!p0 $0x1B8D  }
0xb7: {  	s5 =	sshll.u32 @!p0 s5, $0x11;
	s7 =	sadd.s32 @!p0 $0x11B8D, s7;
	_ =	swait.eq @!p0 [sflag:s6], $0x1  }
0xb8: {  	s5 =	sor.u32 @!p0 s5, s7;
	[sflag:s6] =	ssyncadd.s32 @!p0 $0xFFFFFFFF  }
0xb9: {  	s25 =	simm.s32 $0x1B8E;
	s24 =	sld [smem:$0x3FFE];
	[sflag:s5] =	ssyncadd.remote.s32 @!p0 $0x1  }
0xba: {  	s26 =	simm.s32 $execute0_lowered;
	[smem:$0x3FD2] =	sst s25  }
0xbb: {  	s6 =	sshll.u32 s26, $0x1;
	_ =	strace $0x80000049;
	[dreg:$0x1] =	wrdreg $0xFFFFFFFF  }
0xbc: {  	s28 =	simm.s32 $_size_execute0_lowered;
	s4 =	sadd.s32 s4, s6;
	[dreg:$0x0] =	wrdreg $0x0  }
0xbd: {  	s6 =	sshll.u32 s28, $0x1;
	[dreg:$0x2] =	wrdreg s4  }
0xbe: {  	[dreg:$0x3] =	wrdreg s6  }
0xbf: {  	[dreg:$0x4] =	wrdreg $0xC0  }
0xc0: {  	_ =	task [dreg:s22], $0x5FFFF  }
0xc1: {  	[dreg:$0x1] =	wrdreg $0xFFFFFFFF  }
0xc2: {  	[dreg:$0x0] =	wrdreg $0x60  }
0xc3: {  	[dreg:$0x2] =	wrdreg s24  }
0xc4: {  	[dreg:$0x3] =	wrdreg s17  }
0xc5: {  	[dreg:$0x4] =	wrdreg $0xA  }
0xc6: {  	_ =	task.clear_ibuf [dreg:s22], $0x5FFFF;
	_ =	strace $0x90000049  }
0xc7: {  	s29 =	simm.s32 $0xA;
	_ =	strace $0x8000004B  }
0xc8: {  	_ =	swait.ge [sflag:s29], $0x1  }
0xc9: {  	[sflag:s29] =	ssyncadd.s32 $0xFFFFFFFF  }
0xca: {  	_ =	strace $0x9000004B  }
0xcb: {  	_ =	sfence  }
0xcc: {  	s30 =	sld [smem:$0x0];
	_ =	sdelay $0x2  }
0xcd: {  	s31 =	sshll.u32 s1, $0xD;
	s1 =	sshrl.u32 s1, $0x2  }
0xce: {  	s4 =	sand.u32 $0x4000, s31;
	s1 =	sadd.s32 s1, s30  }
0xcf: {  	s0 =	sor.u32 s4, s0;
	s1 =	sshll.u32 s1, $0x11  }
0xd0: {  	s0 =	sor.u32 s1, s0  }
0xd1: {  	s0 =	sadd.s32 $0x8F2B, s0  }
0xd2: {  	[sflag:s0] =	ssyncadd.remote.s32 $0x1  }
0xd3: {  	_ =	sfence.sel $0xFFFF  }
0xd4: {  	[dreg:$0x0] =	wrdreg $0xFFFFFFFF;
	(pc) =	sbr.abs _section_cstart, $3  }
0xd5: {  	[dreg:$0x1] =	wrdreg $0xFFFFFFFF  }
0xd6: {  	_ =	task.clear_ibuf [dreg:s22], $0x2FFFF;
	_ =	strace $0x9FFFFFFF  }
0xd7: {  	(tm) =	ssettm $0x7FFFFFFF  }
tec
execute0_lowered:
.L_overlay_start_1:
0x0: {  	(tag) =	ssettag $0x1  }
0x1: {  	s1 =	srdreg.scid;
	s0 =	stileid.u32  }
0x2: {  	s12 =	sand.u32 $0x1, s1;
	s30 =	sshll.u32 s0, $0x1  }
0x3: {  	s5 =	rddreg [dreg:$0x0];
	s13 =	sor.u32 s12, s30  }
0x4: {  	s14 =	rddreg [dreg:$0x1];
	s3 =	smul.u32 $0x24, s13  }
0x5: {  	s2 =	simm.s32 $0x0;
	s1 =	rddreg [dreg:$0x2]  }
0x6: {  	[smem:$0x7FF] =	sst s2;
	s3 =	sadd.s32 s3, s5  }
0x7: {  	_ =	strace $0x8000004A;
	s4 =	sadd.s32 $0x29A00, s3;
	s3 =	simm.s32 $0x2  }
0x8: {  	[tilespmem:s2], [sflag:$0x2] =	stream.linear.gather [hbm4b:s4+s2], $0x120, $0x38;
	[tilespmem:$0x9180] =	vst v63  }
0x9: {  	_ =	swait.ge [sflag:s3], $0x120  }
0xa: {  	s6 =	simm.s32 $0x60;
	[sflag:s3] =	ssyncset.done $0x0  }
0xb: {  	s7 =	simm.s32 $0x180;
	s5 =	sadd.s32 $0x1400, s5;
	[sflag:s3] =	ssyncadd.s32 $0xFFFFFEE0  }
0xc: {  	[tilespmem:s7], [sflag:$0x1] =	stream.indirect.gather [hbm4b:s5+s6], $0x80, s2, s6, $0xb8;
	[tilespmem:$0x9180] =	vst v63  }
0xd: {  	s8 =	simm.s32 $0x3180  }
0xe: {  	[tilespmem:s8], [sflag:$0x1] =	stream.indirect.gather [hbm4b:s5+s6], $0x80, s6, s6, $0xb8;
	[tilespmem:$0x9180] =	vst v63  }
0xf: {  	s9 =	simm.s32 $0xC0;
	s10 =	simm.s32 $0x6180;
	s11 =	simm.s32 $0x1  }
0x10: {  	[tilespmem:s10], [sflag:$0x1] =	stream.indirect.gather [hbm4b:s5+s6], $0x80, s9, s6, $0xb8;
	[tilespmem:$0x9180] =	vst v63  }
0x11: {  	_ =	swait.ge [sflag:s11], $0x3000  }
0x12: {  	[sflag:s11] =	ssyncset.done $0x0  }
0x13: {  	s12 =	ssub.s32 $0x2, s12;
	[sflag:s11] =	ssyncadd.s32 $0xFFFFD000  }
0x14: {  	s15 =	sshrl.u32 s12, $0x1;
	_ =	swait.ge [sflag:s11], $0x3000  }
0x15: {  	s15 =	ssub.s32 s12, s15;
	[sflag:s11] =	ssyncset.done $0x0  }
0x16: {  	s31 =	smax.u32 s15, $0x1;
	[sflag:s11] =	ssyncadd.s32 $0xFFFFD000  }
0x17: {  	s13 =	smul.u32 $0x1200, s13;
	p0 =	sne.s32 s31, $0x1;
	_ =	swait.ge [sflag:s11], $0x3000  }
.Ltmp0:
0x18: {  	[sflag:s11] =	ssyncset.done $0x0;
	(pc) =	sbr.rel @!p0 .LBB2_2-.Ltmp0, $4  }
0x19: {  	s12 =	sadd.s32 s14, s13;
	[sflag:s11] =	ssyncadd.s32 $0xFFFFD000  }
0x1a: {  	[hbm4b:s12+s2] =	stream.linear.scatter [tilespmem:s7], [sflag:$0x2], $0x9000, $0x38;
	[tilespmem:$0x9180] =	vst v63  }
0x1b: {  	_ =	swait.ge [sflag:s3], $0x9000  }
0x1c: {  	s13 =	sadd.s32 $0xFFFFFFFF, s31;
	[sflag:s3] =	ssyncset.done $0x0  }
.LBB2_1:
0x1d: {  	p0 =	sne.s32 s13, $0x1;
	s13 =	sadd.s32 $0xFFFFFFFF, s13;
	[sflag:s3] =	ssyncadd.s32 $0xFFFF7000  }
0x1e: {  	[tilespmem:s2], [sflag:$0x2] =	stream.linear.gather [hbm4b:s4+s2], $0x120, $0x38;
	[tilespmem:$0x9180] =	vst v63  }
0x1f: {  	_ =	swait.ge [sflag:s3], $0x120  }
0x20: {  	[sflag:s3] =	ssyncset.done $0x0  }
0x21: {  	[sflag:s3] =	ssyncadd.s32 $0xFFFFFEE0  }
0x22: {  	[tilespmem:s7], [sflag:$0x1] =	stream.indirect.gather [hbm4b:s5+s6], $0x80, s2, s6, $0xb8;
	[tilespmem:$0x9180] =	vst v63  }
0x23: {  	_ = 	snop  }
0x24: {  	[tilespmem:s8], [sflag:$0x1] =	stream.indirect.gather [hbm4b:s5+s6], $0x80, s6, s6, $0xb8;
	[tilespmem:$0x9180] =	vst v63  }
0x25: {  	_ = 	snop  }
0x26: {  	[tilespmem:s10], [sflag:$0x1] =	stream.indirect.gather [hbm4b:s5+s6], $0x80, s9, s6, $0xb8;
	[tilespmem:$0x9180] =	vst v63  }
0x27: {  	_ =	swait.ge [sflag:s11], $0x3000  }
0x28: {  	[sflag:s11] =	ssyncset.done $0x0  }
0x29: {  	[sflag:s11] =	ssyncadd.s32 $0xFFFFD000  }
0x2a: {  	_ =	swait.ge [sflag:s11], $0x3000  }
0x2b: {  	[sflag:s11] =	ssyncset.done $0x0  }
0x2c: {  	[sflag:s11] =	ssyncadd.s32 $0xFFFFD000  }
0x2d: {  	_ =	swait.ge [sflag:s11], $0x3000  }
.Ltmp1:
0x2e: {  	[sflag:s11] =	ssyncset.done $0x0;
	(pc) =	sbr.rel @p0 .LBB2_1-.Ltmp1, $4  }
0x2f: {  	[sflag:s11] =	ssyncadd.s32 $0xFFFFD000  }
0x30: {  	[hbm4b:s12+s2] =	stream.linear.scatter [tilespmem:s7], [sflag:$0x2], $0x9000, $0x38;
	[tilespmem:$0x9180] =	vst v63  }
0x31: {  	_ =	swait.ge [sflag:s3], $0x9000  }
0x32: {  	[sflag:s3] =	ssyncset.done $0x0  }
.LBB2_2:
0x33: {  	[sflag:s3] =	ssyncadd.s32 $0xFFFF7000  }
0x34: {  	_ =	sfence.sel $0x180000  }
0x35: {  	[bflag:$0x0] =	sbarrier.arrive $0xFFFF  }
0x36: {  	p0 =	sne.s32 s0, $0x0;
	_ =	strace $0x9000004A  }
0x37: {  	s0 =	sadd.s32 @!p0 $0x100000, s1;
	[bflag:$0x2] =	sbarrier.arrive $0xFFFF  }
0x38: {  	[sflag:s0] =	ssyncadd.tile.s32 @!p0 $0x1;
	_ =	shalt  }
.Lfunc_end2:
_tile_overlayer_lowered:
.L_overlay_start_2:
0x39: {  	(tag) =	ssettag $0x2  }
0x3a: {  	s0 =	rddreg [dreg:$0x0];
	s2 =	stileid.u32  }
0x3b: {  	s1 =	rddreg [dreg:$0x1];
	p0 =	sne.s32 s2, $0x0  }
0x3c: {  	s3 =	rddreg [dreg:$0x2];
	[bflag:$0x3] =	sbarrier.arrive $0xFFFF;
	s2 =	simm.s32 @!p0 $0x1C02  }
0x3d: {  	[timem:s3], [sflag:s2] =	dma.local @!p0 [hbm:s0], s1  }
0x3e: {  	s0 =	simm.s32 @!p0 $0x2  }
0x3f: {  	_ =	swait.ge @!p0 [sflag:s0], s1  }
0x40: {  	s1 =	ssub.s32 @!p0 $0x0, s1;
	[sflag:s0] =	ssyncset.done @!p0 $0x0  }
0x41: {  	[sflag:s0] =	ssyncadd.s32 @!p0 s1  }
0x42: {  	[bflag:$0x3] =	sbarrier.arrive $0xFFFF  }
0x43: {  	_ =	shalt  }

// kernel: kernel.8.cloned.1.call-start
scs
__scs_entry_jumppad:
0x0: {  	(pc) =	sbr.rel $0x88, $3  }
0x1: {  	(tag) =	ssettag $0x0;
	lr =	simm.s32 $0x1  }
0x2: {  	[smem:$0x3F9F] =	sst lr;
	_ =	strace $0xD0000000  }
0x3: {  	_ = 	snop  }
0x4: {  	_ = 	snop  }
0x5: {  	_ = 	snop  }
0x6: {  	_ = 	snop  }
0x7: {  	_ = 	snop  }
__scs_overlays_trampoline_lowered:
0x8: {  	[smem:$0x3FAE] =	sst s0  }
0x9: {  	[smem:$0x3FAF] =	sst s1  }
0xa: {  	[smem:$0x3FB0] =	sst s2  }
0xb: {  	[smem:$0x3FB1] =	sst s3  }
0xc: {  	[smem:$0x3FB2] =	sst s4  }
0xd: {  	[smem:$0x3FB3] =	sst s5  }
0xe: {  	[smem:$0x3FB4] =	sst s6  }
0xf: {  	[smem:$0x3FB5] =	sst s7  }
0x10: {  	[smem:$0x3FB6] =	sst s8  }
0x11: {  	[smem:$0x3FB7] =	sst s9;
	s0 =	simm.s32 @!p0 $0x0  }
0x12: {  	s1 =	sld [smem:$0x3F9D];
	s0 =	simm.s32 @p0 $0x1  }
0x13: {  	[smem:$0x3FB8] =	sst s0;
	s0 =	simm.s32 @!p1 $0x0  }
0x14: {  	s2 =	sld [smem:$0x3F9C];
	s0 =	simm.s32 @p1 $0x1  }
0x15: {  	[smem:$0x3FB9] =	sst s0;
	s0 =	simm.s32 @!p2 $0x0  }
0x16: {  	s3 =	sld [smem:$0x3FDB];
	s0 =	simm.s32 @p2 $0x1  }
0x17: {  	s4 =	simm.s32 $0x1BF5;
	[smem:$0x3FBB] =	sst s0  }
0x18: {  	s0 =	sld [smem:$0x3F9E];
	_ =	swait.ge [sflag:s4], $0x0  }
0x19: {  	s7 =	sld [smem:$0x3F9F]  }
0x1a: {  	s8 =	sadd.s32 $0xFFFFE003, lr  }
0x1b: {  	s9 =	sadd.s32 $0xFFFFFEF7, lr;
	s5 =	simm.s32 $0xFFFFFFFF;
	p2 =	slt.u32 s8, $0xFFFFF086  }
0x1c: {  	p1 =	slt.u32 s9, $0xF7A;
	s5 =	simm.s32 @!p2 $0x0  }
0x1d: {  	s5 =	simm.s32 @p1 $0x1;
	p0 =	seq.s32 s7, s2  }
0x1e: {  	s7 =	smul.u32 @!p0 $0xF7A, s2;
	p2 =	seq.s32 @!p0 s5, $0x0  }
0x1f: {  	s9 =	smul.u32 $0xF7A, s1;
	s8 =	simm.s32 @!p0 $0x1BF5;
	p2 =	por !p2, p0  }
0x20: {  	[sflag:s8] =	ssyncset.s32 @!p0 $0xFFFFF086;
	s6 =	sadd.s32 @!p0 s3, s7;
	s7 =	simm.s32 @!p0 $0x108  }
0x21: {  	s3 =	sadd.s32 s3, s9;
	s6 =	sadd.s32 @!p0 $0x88, s6;
	s7 =	simm.s32 @p2 $0x1082  }
0x22: {  	[simem:s7], [sflag:s8] =	dma.local @!p0 [hbm:s6], $0xF7A  }
0x23: {  	s9 =	sor.u32 $0xD0000000, s2;
	s6 =	simm.s32 $0x108;
	_ =	swait.ge @!p0 [sflag:s8], $0x0  }
0x24: {  	s3 =	sadd.s32 $0x88, s3;
	s6 =	simm.s32 @!p1 $0x1082;
	[sflag:s4] =	ssyncset.s32 $0xFFFFF086  }
0x25: {  	[simem:s6], [sflag:s4] =	dma.local [hbm:s3], $0xF7A  }
0x26: {  	[smem:$0x3F9F] =	sst s1;
	(tag) =	ssettag s2;
	_ =	strace s9  }
0x27: {  	s1 =	sld [smem:$0x3FAF]  }
0x28: {  	s2 =	sld [smem:$0x3FB0]  }
0x29: {  	s4 =	sld [smem:$0x3FB2]  }
0x2a: {  	p0 =	seq.s32 s5, $0x0;
	s5 =	sld [smem:$0x3FB3]  }
0x2b: {  	s6 =	sld [smem:$0x3FB4]  }
0x2c: {  	s7 =	sld [smem:$0x3FB5]  }
0x2d: {  	s3 =	simm.s32 $0x108;
	s8 =	sld [smem:$0x3FB6]  }
0x2e: {  	s3 =	simm.s32 @!p0 $0x1082;
	s9 =	sld [smem:$0x3FB7]  }
0x2f: {  	lr =	sadd.s32 s0, s3;
	s0 =	sld [smem:$0x3FAE]  }
0x30: {  	s3 =	sld [smem:$0x3FB1]  }
0x31: {  	[smem:$0x3FBA] =	sst s10  }
0x32: {  	s10 =	sld [smem:$0x3FB8];
	_ =	sdelay $0x3  }
0x33: {  	p0 =	seq.s32 s10, $0x1;
	s10 =	sld [smem:$0x3FBA];
	_ =	sdelay $0x3  }
0x34: {  	[smem:$0x3FBA] =	sst s10  }
0x35: {  	s10 =	sld [smem:$0x3FB9];
	_ =	sdelay $0x3  }
0x36: {  	p1 =	seq.s32 s10, $0x1;
	s10 =	sld [smem:$0x3FBA];
	_ =	sdelay $0x3  }
0x37: {  	[smem:$0x3FBA] =	sst s10  }
0x38: {  	s10 =	sld [smem:$0x3FBB]  }
0x39: {  	_ = 	snop;
	(pc) =	sbr.ind lr, $3  }
0x3a: {  	_ = 	snop  }
0x3b: {  	_ = 	snop  }
0x3c: {  	p2 =	seq.s32 s10, $0x1;
	s10 =	sld [smem:$0x3FBA]  }
0x3d: {  	_ =	shalt  }
0x3e: {  	_ =	shalt  }
0x3f: {  	_ =	shalt  }
0x40: {  	_ =	shalt  }
0x41: {  	_ =	shalt  }
0x42: {  	_ =	shalt  }
0x43: {  	_ =	shalt  }
0x44: {  	_ =	shalt  }
0x45: {  	_ =	shalt  }
0x46: {  	_ =	shalt  }
0x47: {  	_ =	shalt  }
0x48: {  	_ =	shalt  }
0x49: {  	_ =	shalt  }
0x4a: {  	_ =	shalt  }
0x4b: {  	_ =	shalt  }
0x4c: {  	_ =	shalt  }
0x4d: {  	_ =	shalt  }
0x4e: {  	_ =	shalt  }
0x4f: {  	_ =	shalt  }
0x50: {  	_ =	shalt  }
0x51: {  	_ =	shalt  }
0x52: {  	_ =	shalt  }
0x53: {  	_ =	shalt  }
0x54: {  	_ =	shalt  }
0x55: {  	_ =	shalt  }
0x56: {  	_ =	shalt  }
0x57: {  	_ =	shalt  }
0x58: {  	_ =	shalt  }
0x59: {  	_ =	shalt  }
0x5a: {  	_ =	shalt  }
0x5b: {  	_ =	shalt  }
0x5c: {  	_ =	shalt  }
0x5d: {  	_ =	shalt  }
0x5e: {  	_ =	shalt  }
0x5f: {  	_ =	shalt  }
0x60: {  	_ =	shalt  }
0x61: {  	_ =	shalt  }
0x62: {  	_ =	shalt  }
0x63: {  	_ =	shalt  }
0x64: {  	_ =	shalt  }
0x65: {  	_ =	shalt  }
0x66: {  	_ =	shalt  }
0x67: {  	_ =	shalt  }
0x68: {  	_ =	shalt  }
0x69: {  	_ =	shalt  }
0x6a: {  	_ =	shalt  }
0x6b: {  	_ =	shalt  }
0x6c: {  	_ =	shalt  }
0x6d: {  	_ =	shalt  }
0x6e: {  	_ =	shalt  }
0x6f: {  	_ =	shalt  }
0x70: {  	_ =	shalt  }
0x71: {  	_ =	shalt  }
0x72: {  	_ =	shalt  }
0x73: {  	_ =	shalt  }
0x74: {  	_ =	shalt  }
0x75: {  	_ =	shalt  }
0x76: {  	_ =	shalt  }
0x77: {  	_ =	shalt  }
0x78: {  	_ =	shalt  }
0x79: {  	_ =	shalt  }
0x7a: {  	_ =	shalt  }
0x7b: {  	_ =	shalt  }
0x7c: {  	_ =	shalt  }
0x7d: {  	_ =	shalt  }
0x7e: {  	_ =	shalt  }
0x7f: {  	_ =	shalt  }
0x80: {  	_ =	shalt  }
0x81: {  	_ =	shalt  }
0x82: {  	_ =	shalt  }
0x83: {  	_ =	shalt  }
0x84: {  	_ =	shalt  }
0x85: {  	_ =	shalt  }
0x86: {  	_ =	shalt  }
0x87: {  	_ =	shalt  }
.Lfunc_end0:
.L_simem_size_0:
called_computation_lowered:
.L_overlay_start_0:
0x88: {  	s2 =	sld [smem:$0x3FD9]  }
0x89: {  	s3 =	sld [smem:$0x3FFE];
	_ =	sdelay $0x1  }
0x8a: {  	s1 =	srdreg.scid  }
0x8b: {  	s0 =	sand.u32 $0x1, s1  }
0x8c: {  	s16 =	sshll.u32 s0, $0xA;
	s2 =	sadd.s32 s3, s2  }
0x8d: {  	s2 =	sadd.s32 s2, s16  }
0x8e: {  	[smem:$0x3FC6] =	sst s2  }
0x8f: {  	_ = 	snop  }
0x90: {  	(tm) =	ssettm $0x1  }
0x91: {  	s17 =	sld [smem:$0x3FFB];
	_ =	sdelay $0x3  }
0x92: {  	_ =	strace s17  }
0x93: {  	s2 =	sld [smem:$0x3FFC];
	_ =	sdelay $0x3  }
0x94: {  	_ =	strace s2  }
0x95: {  	s2 =	sld [smem:$0x3FFD];
	_ =	sdelay $0x3  }
0x96: {  	_ =	strace s2  }
0x97: {  	_ =	strace $0x8FFFFFFF  }
0x98: {  	s18 =	sld [smem:$0x3FDB];
	_ =	sdelay $0x1  }
0x99: {  	s19 =	simm.s32 $_scs_section_size  }
0x9a: {  	s4 =	simm.s32 $_size__tile_overlayer_lowered;
	s5 =	simm.s32 $_tile_overlayer_lowered  }
0x9b: {  	s22 =	simm.s32 $0x1BFF;
	s21 =	sshll.u32 s5, $0x1;
	s2 =	sadd.s32 s19, s18  }
0x9c: {  	s6 =	simm.s32 $0x0;
	s20 =	sshll.u32 s4, $0x1;
	s4 =	sadd.s32 s21, s2  }
0x9d: {  	[timem:s6], [sflag:s22] =	dma.local [hbm:s4], s20  }
0x9e: {  	_ =	swait.ge [sflag:s22], s20  }
0x9f: {  	s3 =	ssub.s32 $0x0, s20;
	[sflag:s22] =	ssyncset.done $0x0  }
0xa0: {  	[sflag:s22] =	ssyncadd.s32 s3;
	_ =	sdelay $0x1  }
0xa1: {  	s23 =	simm.s32 $0x1B8B  }
0xa2: {  	_ =	swait.ge [sflag:s23], $0x1  }
0xa3: {  	[sflag:s23] =	ssyncset.done $0x0  }
0xa4: {  	s25 =	simm.s32 $0x1B8E;
	s24 =	sld [smem:$0x3FFE];
	[sflag:s23] =	ssyncadd.s32 $0xFFFFFFFF  }
0xa5: {  	s26 =	simm.s32 $execute0_lowered;
	[smem:$0x3FD2] =	sst s25  }
0xa6: {  	s4 =	sshll.u32 s26, $0x1;
	_ =	strace $0x80000046;
	[dreg:$0x1] =	wrdreg $0xFFFFFFFF  }
0xa7: {  	s28 =	simm.s32 $_size_execute0_lowered;
	s2 =	sadd.s32 s2, s4;
	[dreg:$0x0] =	wrdreg $0x0  }
0xa8: {  	s4 =	sshll.u32 s28, $0x1;
	[dreg:$0x2] =	wrdreg s2  }
0xa9: {  	[dreg:$0x3] =	wrdreg s4  }
0xaa: {  	[dreg:$0x4] =	wrdreg $0xC0  }
0xab: {  	_ =	task [dreg:s6], $0x5FFFF  }
0xac: {  	[dreg:$0x1] =	wrdreg $0xFFFFFFFF  }
0xad: {  	[dreg:$0x0] =	wrdreg $0x60  }
0xae: {  	[dreg:$0x2] =	wrdreg s24  }
0xaf: {  	[dreg:$0x3] =	wrdreg $0x9  }
0xb0: {  	_ =	task.clear_ibuf [dreg:s6], $0x4FFFF;
	_ =	strace $0x90000046  }
0xb1: {  	s29 =	simm.s32 $0x9;
	_ =	strace $0x80000048  }
0xb2: {  	_ =	swait.ge [sflag:s29], $0x1  }
0xb3: {  	[sflag:s29] =	ssyncadd.s32 $0xFFFFFFFF  }
0xb4: {  	_ =	strace $0x90000048  }
0xb5: {  	_ =	sfence  }
0xb6: {  	s30 =	sld [smem:$0x0];
	_ =	sdelay $0x2  }
0xb7: {  	s31 =	sshll.u32 s1, $0xD;
	s1 =	sshrl.u32 s1, $0x2  }
0xb8: {  	s3 =	sand.u32 $0x4000, s31;
	s1 =	sadd.s32 s1, s30  }
0xb9: {  	s0 =	sor.u32 s3, s0;
	s1 =	sshll.u32 s1, $0x11  }
0xba: {  	s0 =	sor.u32 s1, s0  }
0xbb: {  	s0 =	sadd.s32 $0x8F2B, s0  }
0xbc: {  	[sflag:s0] =	ssyncadd.remote.s32 $0x1  }
0xbd: {  	_ =	sfence.sel $0xFFFF  }
0xbe: {  	[dreg:$0x0] =	wrdreg $0xFFFFFFFF;
	(pc) =	sbr.abs _section_cstart, $3  }
0xbf: {  	[dreg:$0x1] =	wrdreg $0xFFFFFFFF  }
0xc0: {  	_ =	task.clear_ibuf [dreg:s6], $0x2FFFF;
	_ =	strace $0x9FFFFFFF  }
0xc1: {  	(tm) =	ssettm $0x7FFFFFFF  }
tec
execute0_lowered:
.L_overlay_start_1:
0x0: {  	(tag) =	ssettag $0x1  }
0x1: {  	s1 =	srdreg.scid;
	s0 =	stileid.u32  }
0x2: {  	s12 =	sand.u32 $0x1, s1;
	s29 =	sshll.u32 s0, $0x1  }
0x3: {  	s13 =	sor.u32 s12, s29  }
0x4: {  	s14 =	rddreg [dreg:$0x0];
	s3 =	smul.u32 $0x24, s13  }
0x5: {  	s2 =	simm.s32 $0x0;
	s1 =	rddreg [dreg:$0x1]  }
0x6: {  	[smem:$0x7FF] =	sst s2;
	s3 =	sadd.s32 s3, s14  }
0x7: {  	_ =	strace $0x80000047;
	s4 =	sadd.s32 $0x5400, s3;
	s3 =	simm.s32 $0x2  }
0x8: {  	[tilespmem:s2], [sflag:$0x2] =	stream.linear.gather [hbm4b:s4+s2], $0x120, $0x38;
	[tilespmem:$0x9180] =	vst v63  }
0x9: {  	_ =	swait.ge [sflag:s3], $0x120  }
0xa: {  	s6 =	simm.s32 $0x60;
	[sflag:s3] =	ssyncset.done $0x0  }
0xb: {  	s7 =	simm.s32 $0x180;
	s5 =	sadd.s32 $0x1400, s14;
	[sflag:s3] =	ssyncadd.s32 $0xFFFFFEE0  }
0xc: {  	[tilespmem:s7], [sflag:$0x1] =	stream.indirect.gather [hbm4b:s5+s6], $0x80, s2, s6, $0xb8;
	[tilespmem:$0x9180] =	vst v63  }
0xd: {  	s8 =	simm.s32 $0x3180  }
0xe: {  	[tilespmem:s8], [sflag:$0x1] =	stream.indirect.gather [hbm4b:s5+s6], $0x80, s6, s6, $0xb8;
	[tilespmem:$0x9180] =	vst v63  }
0xf: {  	s9 =	simm.s32 $0xC0;
	s10 =	simm.s32 $0x6180;
	s11 =	simm.s32 $0x1  }
0x10: {  	[tilespmem:s10], [sflag:$0x1] =	stream.indirect.gather [hbm4b:s5+s6], $0x80, s9, s6, $0xb8;
	[tilespmem:$0x9180] =	vst v63  }
0x11: {  	_ =	swait.ge [sflag:s11], $0x3000  }
0x12: {  	[sflag:s11] =	ssyncset.done $0x0  }
0x13: {  	s12 =	ssub.s32 $0x2, s12;
	[sflag:s11] =	ssyncadd.s32 $0xFFFFD000  }
0x14: {  	s15 =	sshrl.u32 s12, $0x1;
	_ =	swait.ge [sflag:s11], $0x3000  }
0x15: {  	s30 =	ssub.s32 s12, s15;
	[sflag:s11] =	ssyncset.done $0x0  }
0x16: {  	s13 =	smul.u32 $0x1200, s13;
	s31 =	smax.u32 s30, $0x1;
	[sflag:s11] =	ssyncadd.s32 $0xFFFFD000  }
0x17: {  	p0 =	sne.s32 s31, $0x1;
	_ =	swait.ge [sflag:s11], $0x3000  }
.Ltmp0:
0x18: {  	s13 =	sadd.s32 s13, s14;
	[sflag:s11] =	ssyncset.done $0x0;
	(pc) =	sbr.rel @!p0 .LBB2_2-.Ltmp0, $4  }
0x19: {  	s12 =	sadd.s32 $0x5A00, s13;
	[sflag:s11] =	ssyncadd.s32 $0xFFFFD000  }
0x1a: {  	[hbm4b:s12+s2] =	stream.linear.scatter [tilespmem:s7], [sflag:$0x2], $0x9000, $0x38;
	[tilespmem:$0x9180] =	vst v63  }
0x1b: {  	_ =	swait.ge [sflag:s3], $0x9000  }
0x1c: {  	s13 =	sadd.s32 $0xFFFFFFFF, s31;
	[sflag:s3] =	ssyncset.done $0x0  }
.LBB2_1:
0x1d: {  	p0 =	sne.s32 s13, $0x1;
	s13 =	sadd.s32 $0xFFFFFFFF, s13;
	[sflag:s3] =	ssyncadd.s32 $0xFFFF7000  }
0x1e: {  	[tilespmem:s2], [sflag:$0x2] =	stream.linear.gather [hbm4b:s4+s2], $0x120, $0x38;
	[tilespmem:$0x9180] =	vst v63  }
0x1f: {  	_ =	swait.ge [sflag:s3], $0x120  }
0x20: {  	[sflag:s3] =	ssyncset.done $0x0  }
0x21: {  	[sflag:s3] =	ssyncadd.s32 $0xFFFFFEE0  }
0x22: {  	[tilespmem:s7], [sflag:$0x1] =	stream.indirect.gather [hbm4b:s5+s6], $0x80, s2, s6, $0xb8;
	[tilespmem:$0x9180] =	vst v63  }
0x23: {  	_ = 	snop  }
0x24: {  	[tilespmem:s8], [sflag:$0x1] =	stream.indirect.gather [hbm4b:s5+s6], $0x80, s6, s6, $0xb8;
	[tilespmem:$0x9180] =	vst v63  }
0x25: {  	_ = 	snop  }
0x26: {  	[tilespmem:s10], [sflag:$0x1] =	stream.indirect.gather [hbm4b:s5+s6], $0x80, s9, s6, $0xb8;
	[tilespmem:$0x9180] =	vst v63  }
0x27: {  	_ =	swait.ge [sflag:s11], $0x3000  }
0x28: {  	[sflag:s11] =	ssyncset.done $0x0  }
0x29: {  	[sflag:s11] =	ssyncadd.s32 $0xFFFFD000  }
0x2a: {  	_ =	swait.ge [sflag:s11], $0x3000  }
0x2b: {  	[sflag:s11] =	ssyncset.done $0x0  }
0x2c: {  	[sflag:s11] =	ssyncadd.s32 $0xFFFFD000  }
0x2d: {  	_ =	swait.ge [sflag:s11], $0x3000  }
.Ltmp1:
0x2e: {  	[sflag:s11] =	ssyncset.done $0x0;
	(pc) =	sbr.rel @p0 .LBB2_1-.Ltmp1, $4  }
0x2f: {  	[sflag:s11] =	ssyncadd.s32 $0xFFFFD000  }
0x30: {  	[hbm4b:s12+s2] =	stream.linear.scatter [tilespmem:s7], [sflag:$0x2], $0x9000, $0x38;
	[tilespmem:$0x9180] =	vst v63  }
0x31: {  	_ =	swait.ge [sflag:s3], $0x9000  }
0x32: {  	[sflag:s3] =	ssyncset.done $0x0  }
.LBB2_2:
0x33: {  	[sflag:s3] =	ssyncadd.s32 $0xFFFF7000  }
0x34: {  	_ =	sfence.sel $0x180000  }
0x35: {  	[bflag:$0x0] =	sbarrier.arrive $0xFFFF  }
0x36: {  	p0 =	sne.s32 s0, $0x0;
	_ =	strace $0x90000047  }
0x37: {  	s0 =	sadd.s32 @!p0 $0x100000, s1;
	[bflag:$0x2] =	sbarrier.arrive $0xFFFF  }
0x38: {  	[sflag:s0] =	ssyncadd.tile.s32 @!p0 $0x1;
	_ =	shalt  }
.Lfunc_end2:
_tile_overlayer_lowered:
.L_overlay_start_2:
0x39: {  	(tag) =	ssettag $0x2  }
0x3a: {  	s0 =	rddreg [dreg:$0x0];
	s2 =	stileid.u32  }
0x3b: {  	s1 =	rddreg [dreg:$0x1];
	p0 =	sne.s32 s2, $0x0  }
0x3c: {  	s3 =	rddreg [dreg:$0x2];
	[bflag:$0x3] =	sbarrier.arrive $0xFFFF;
	s2 =	simm.s32 @!p0 $0x1C02  }
0x3d: {  	[timem:s3], [sflag:s2] =	dma.local @!p0 [hbm:s0], s1  }
0x3e: {  	s0 =	simm.s32 @!p0 $0x2  }
0x3f: {  	_ =	swait.ge @!p0 [sflag:s0], s1  }
0x40: {  	s1 =	ssub.s32 @!p0 $0x0, s1;
	[sflag:s0] =	ssyncset.done @!p0 $0x0  }
0x41: {  	[sflag:s0] =	ssyncadd.s32 @!p0 s1  }
0x42: {  	[bflag:$0x3] =	sbarrier.arrive $0xFFFF  }
0x43: {  	_ =	shalt  }

</sc_bundles>
